<compile_context>
chip_gen: v7x
topology: tpu7x:2x2x1
jax: 0.10.2.dev20260603
libtpu: 0.0.44.dev20260713+nightly
codegen_flags: <defaults>
</compile_context>

<pallas_src>
import functools

import jax
import jax.numpy as jnp
from jax import lax
from jax.experimental import pallas as pl
from jax.experimental.pallas import tpu as pltpu
from jax.experimental.pallas import tpu_sc as plsc

_VOCAB = 1000000
_D = 128
_SCALE = float(_D) ** 0.5

_NC = 2
_NS = 16
_NW = _NC * _NS

_CHUNK = 128
_NBUF = 5
_LEAD = 3


def _make_kernel(n_rows):
    assert n_rows % (_NW * _CHUNK) == 0
    rows_per_w = n_rows // _NW
    n_chunks = rows_per_w // _CHUNK
    assert n_chunks % _NBUF == 0

    mesh = plsc.VectorSubcoreMesh(core_axis_name="c", subcore_axis_name="s")

    @functools.partial(
        pl.kernel,
        out_type=jax.ShapeDtypeStruct((n_rows, _D), jnp.float32),
        mesh=mesh,
        scratch_types=[
            pltpu.VMEM((n_chunks, _CHUNK), jnp.int32),
            pltpu.VMEM((_NBUF, _CHUNK, _D), jnp.float32),
            pltpu.SemaphoreType.DMA((_NBUF,)),
            pltpu.SemaphoreType.DMA((_NBUF,)),
        ],
    )
    def emb(idx_hbm, table_hbm, out_hbm, idx_v, rows, sem_g, sem_o):
        wid = lax.axis_index("s") * _NC + lax.axis_index("c")
        base = wid * rows_per_w

        pltpu.sync_copy(idx_hbm.at[wid], idx_v)

        for b in range(_LEAD):
            pltpu.async_copy(table_hbm.at[idx_v.at[b]], rows.at[b], sem_g.at[b])

        def outer(g, carry):
            for b in range(_NBUF):
                i = g * _NBUF + b
                rb = rows.at[b]

                j = i + _LEAD
                bj = (b + _LEAD) % _NBUF

                @pl.when(j < n_chunks)
                def _():
                    @pl.when(j >= _NBUF)
                    def _():
                        pltpu.make_async_copy(
                            rows.at[bj], out_hbm.at[pl.ds(0, _CHUNK)],
                            sem_o.at[bj]).wait()
                    pltpu.async_copy(
                        table_hbm.at[idx_v.at[j]], rows.at[bj], sem_g.at[bj])

                pltpu.make_async_copy(
                    table_hbm.at[idx_v.at[i]], rb, sem_g.at[b]).wait()

                @plsc.parallel_loop(0, _CHUNK, unroll=2)
                def scale_row(r):
                    for k in range(_D // 16):
                        sl = (r, pl.ds(k * 16, 16))
                        rb[sl] = rb[sl] * _SCALE

                pltpu.async_copy(
                    rb, out_hbm.at[pl.ds(base + i * _CHUNK, _CHUNK)],
                    sem_o.at[b])
            return carry

        lax.fori_loop(0, n_chunks // _NBUF, outer, 0)

        for b in range(_NBUF):
            pltpu.make_async_copy(
                rows.at[b], out_hbm.at[pl.ds(0, _CHUNK)], sem_o.at[b]).wait()

    return emb


@jax.jit
def kernel(x, table):
    batch, seq = x.shape
    n_rows = batch * seq
    rows_per_w = n_rows // _NW
    idx = x.reshape(_NW, rows_per_w // _CHUNK, _CHUNK).astype(jnp.int32)
    out = _make_kernel(n_rows)(idx, table)
    return out.reshape(batch, seq, _D)

# --- scband reference (transcript-rebuilt; emitter-appended) ---
"""Pipeline reference for scband-word-embedding-40510131536389 (READ-ONLY COPY).

The authoritative reference and input builder live on the scoring server;
editing this copy changes nothing except your own understanding.
"""

import jax, jax.numpy as jnp
import numpy as np

VOCAB_SIZE = 1000000
D_MODEL = 128
BATCH = 4096
SEQ = 200


def setup_inputs(seed: int = 0) -> dict:
    key = jax.random.key(seed)
    k_idx, k_tab = jax.random.split(key)
    x = jax.random.randint(k_idx, (BATCH, SEQ), 0, VOCAB_SIZE, dtype=jnp.int64 if jax.config.jax_enable_x64 else jnp.int32)
    table = jax.random.normal(k_tab, (VOCAB_SIZE, D_MODEL), dtype=jnp.float32)
    return {"x": x, "table": table}


def reference(x, table):
    # Embedding lookup (gather) scaled by sqrt(d_model), as in the torch module
    emb = jnp.take(table, x, axis=0)
    return emb * (D_MODEL ** 0.5)

if __name__ == "__main__":
    import jax
    _d = setup_inputs()
    print(jax.jit(kernel)(*tuple(_d.values())))

</pallas_src>

<mosaic_0001>
#map = affine_map<(d0, d1) -> (0, 0, 0)>
#map1 = affine_map<(d0, d1) -> (0, 0)>
module attributes {stable_mosaic.version = 14 : i64} {
  func.func @emb(%arg0: i32, %arg1: i32, %arg2: memref<32x200x128xi32, #tpu.memory_space<hbm>>, %arg3: memref<1000000x128xf32, #tpu.memory_space<hbm>>, %arg4: memref<819200x128xf32, #tpu.memory_space<hbm>>, %arg5: memref<200x128xi32, #tpu.memory_space<vmem>>, %arg6: memref<5x128x128xf32, #tpu.memory_space<vmem>>, %arg7: memref<5x!tpu.dma_semaphore, #tpu.memory_space<semaphore_mem>>, %arg8: memref<5x!tpu.dma_semaphore, #tpu.memory_space<semaphore_mem>>) attributes {dimension_semantics = [#tpu.dimension_semantics<core_parallel>, #tpu.dimension_semantics<subcore_parallel>], iteration_bounds = array<i64: 2, 16>, scalar_prefetch = 0 : i64, scratch_operands = 4 : i64, tpu.core_type = #tpu.core_type<sc_vector_subcore>, window_params = [{transform_indices = #map}, {transform_indices = #map1}, {transform_indices = #map1}]} {
    %mul3A = arith.constant 2 : i32
    %mul3A_0 = arith.muli %arg1, %mul3A : i32
    %add3A = arith.addi %mul3A_0, %arg0 : i32
    %mul3A_1 = arith.constant 25600 : i32
    %mul3A_2 = arith.muli %add3A, %mul3A_1 : i32
    "tpu.region"() ({
      %run_scoped3A = tpu.sem_alloc : memref<!tpu.dma_semaphore, #tpu.memory_space<semaphore_mem>>
      %dma_start3A_141 = arith.constant 0 : i32
      %dma_start3A_142 = arith.constant 0 : i32
      %dma_start3A_143 = tpu.memref_slice %arg2[%add3A, %dma_start3A_141, %dma_start3A_142] : memref<32x200x128xi32, #tpu.memory_space<hbm>> -> memref<1x200x128xi32, #tpu.memory_space<hbm>>
      %dma_start3A_144 = tpu.memref_squeeze %dma_start3A_143 : memref<1x200x128xi32, #tpu.memory_space<hbm>> -> memref<200x128xi32, #tpu.memory_space<hbm>>
      %dma_start3A_145 = arith.constant 0 : i32
      %dma_start3A_146 = arith.constant 0 : i32
      %dma_start3A_147 = tpu.memref_slice %arg2[%add3A, %dma_start3A_145, %dma_start3A_146] : memref<32x200x128xi32, #tpu.memory_space<hbm>> -> memref<1x200x128xi32, #tpu.memory_space<hbm>>
      %dma_start3A_148 = tpu.memref_squeeze %dma_start3A_147 : memref<1x200x128xi32, #tpu.memory_space<hbm>> -> memref<200x128xi32, #tpu.memory_space<hbm>>
      tpu.enqueue_dma source(%dma_start3A_148 : memref<200x128xi32, #tpu.memory_space<hbm>>) target(%arg5 : memref<200x128xi32, #tpu.memory_space<vmem>>) target_semaphore(%run_scoped3A : memref<!tpu.dma_semaphore, #tpu.memory_space<semaphore_mem>>)
      %dma_wait3A_149 = arith.constant 0 : i32
      %dma_wait3A_150 = arith.constant 0 : i32
      %dma_wait3A_151 = tpu.memref_slice %arg2[%add3A, %dma_wait3A_149, %dma_wait3A_150] : memref<32x200x128xi32, #tpu.memory_space<hbm>> -> memref<1x200x128xi32, #tpu.memory_space<hbm>>
      %dma_wait3A_152 = tpu.memref_squeeze %dma_wait3A_151 : memref<1x200x128xi32, #tpu.memory_space<hbm>> -> memref<200x128xi32, #tpu.memory_space<hbm>>
      %dma_wait3A_153 = arith.constant 0 : i32
      %dma_wait3A_154 = arith.constant 0 : i32
      %dma_wait3A_155 = tpu.memref_slice %arg2[%add3A, %dma_wait3A_153, %dma_wait3A_154] : memref<32x200x128xi32, #tpu.memory_space<hbm>> -> memref<1x200x128xi32, #tpu.memory_space<hbm>>
      %dma_wait3A_156 = tpu.memref_squeeze %dma_wait3A_155 : memref<1x200x128xi32, #tpu.memory_space<hbm>> -> memref<200x128xi32, #tpu.memory_space<hbm>>
      tpu.wait_dma2 semaphore(%run_scoped3A : memref<!tpu.dma_semaphore, #tpu.memory_space<semaphore_mem>>) src(%dma_wait3A_156 : memref<200x128xi32, #tpu.memory_space<hbm>>) dst(%arg5 : memref<200x128xi32, #tpu.memory_space<vmem>>)
      tpu.yield
    }) : () -> ()
    %dma_start3A = arith.constant 0 : i32
    %dma_start3A_3 = arith.constant 0 : i32
    %dma_start3A_4 = arith.constant 0 : i32
    %dma_start3A_5 = arith.constant 0 : i32
    %dma_start3A_6 = arith.constant 0 : i32
    %dma_start3A_7 = tpu.memref_slice %arg6[%dma_start3A_3, %dma_start3A_5, %dma_start3A_6] : memref<5x128x128xf32, #tpu.memory_space<vmem>> -> memref<1x128x128xf32, #tpu.memory_space<vmem>>
    %dma_start3A_8 = tpu.memref_squeeze %dma_start3A_7 : memref<1x128x128xf32, #tpu.memory_space<vmem>> -> memref<128x128xf32, #tpu.memory_space<vmem>>
    %dma_start3A_9 = arith.constant 0 : i32
    %dma_start3A_10 = tpu.memref_slice %arg5[%dma_start3A, %dma_start3A_9] : memref<200x128xi32, #tpu.memory_space<vmem>> -> memref<1x128xi32, #tpu.memory_space<vmem>>
    %dma_start3A_11 = tpu.memref_squeeze %dma_start3A_10 : memref<1x128xi32, #tpu.memory_space<vmem>> -> memref<128xi32, #tpu.memory_space<vmem>>
    %dma_start3A_12 = arith.constant 0 : i32
    %dma_start3A_13 = arith.constant 0 : i32
    %dma_start3A_14 = tpu.memref_slice %arg3[%dma_start3A_12, %dma_start3A_13] : memref<1000000x128xf32, #tpu.memory_space<hbm>> -> memref<1000000x128xf32, #tpu.memory_space<hbm>>
    %dma_start3A_15 = tpu.memref_slice %arg7[%dma_start3A_4] : memref<5x!tpu.dma_semaphore, #tpu.memory_space<semaphore_mem>> -> memref<1x!tpu.dma_semaphore, #tpu.memory_space<semaphore_mem>>
    %dma_start3A_16 = tpu.memref_squeeze %dma_start3A_15 : memref<1x!tpu.dma_semaphore, #tpu.memory_space<semaphore_mem>> -> memref<!tpu.dma_semaphore, #tpu.memory_space<semaphore_mem>>
    tpu.enqueue_indirect_dma source(%dma_start3A_14 : memref<1000000x128xf32, #tpu.memory_space<hbm>>) target(%dma_start3A_8 : memref<128x128xf32, #tpu.memory_space<vmem>>) offsets(%dma_start3A_11 : memref<128xi32, #tpu.memory_space<vmem>>) semaphore(%dma_start3A_16 : memref<!tpu.dma_semaphore, #tpu.memory_space<semaphore_mem>>)
    %dma_start3A_17 = arith.constant 1 : i32
    %dma_start3A_18 = arith.constant 1 : i32
    %dma_start3A_19 = arith.constant 1 : i32
    %dma_start3A_20 = arith.constant 0 : i32
    %dma_start3A_21 = arith.constant 0 : i32
    %dma_start3A_22 = tpu.memref_slice %arg6[%dma_start3A_18, %dma_start3A_20, %dma_start3A_21] : memref<5x128x128xf32, #tpu.memory_space<vmem>> -> memref<1x128x128xf32, #tpu.memory_space<vmem>>
    %dma_start3A_23 = tpu.memref_squeeze %dma_start3A_22 : memref<1x128x128xf32, #tpu.memory_space<vmem>> -> memref<128x128xf32, #tpu.memory_space<vmem>>
    %dma_start3A_24 = arith.constant 0 : i32
    %dma_start3A_25 = tpu.memref_slice %arg5[%dma_start3A_17, %dma_start3A_24] : memref<200x128xi32, #tpu.memory_space<vmem>> -> memref<1x128xi32, #tpu.memory_space<vmem>>
    %dma_start3A_26 = tpu.memref_squeeze %dma_start3A_25 : memref<1x128xi32, #tpu.memory_space<vmem>> -> memref<128xi32, #tpu.memory_space<vmem>>
    %dma_start3A_27 = arith.constant 0 : i32
    %dma_start3A_28 = arith.constant 0 : i32
    %dma_start3A_29 = tpu.memref_slice %arg3[%dma_start3A_27, %dma_start3A_28] : memref<1000000x128xf32, #tpu.memory_space<hbm>> -> memref<1000000x128xf32, #tpu.memory_space<hbm>>
    %dma_start3A_30 = tpu.memref_slice %arg7[%dma_start3A_19] : memref<5x!tpu.dma_semaphore, #tpu.memory_space<semaphore_mem>> -> memref<1x!tpu.dma_semaphore, #tpu.memory_space<semaphore_mem>>
    %dma_start3A_31 = tpu.memref_squeeze %dma_start3A_30 : memref<1x!tpu.dma_semaphore, #tpu.memory_space<semaphore_mem>> -> memref<!tpu.dma_semaphore, #tpu.memory_space<semaphore_mem>>
    tpu.enqueue_indirect_dma source(%dma_start3A_29 : memref<1000000x128xf32, #tpu.memory_space<hbm>>) target(%dma_start3A_23 : memref<128x128xf32, #tpu.memory_space<vmem>>) offsets(%dma_start3A_26 : memref<128xi32, #tpu.memory_space<vmem>>) semaphore(%dma_start3A_31 : memref<!tpu.dma_semaphore, #tpu.memory_space<semaphore_mem>>)
    %dma_start3A_32 = arith.constant 2 : i32
    %dma_start3A_33 = arith.constant 2 : i32
    %dma_start3A_34 = arith.constant 2 : i32
    %dma_start3A_35 = arith.constant 0 : i32
    %dma_start3A_36 = arith.constant 0 : i32
    %dma_start3A_37 = tpu.memref_slice %arg6[%dma_start3A_33, %dma_start3A_35, %dma_start3A_36] : memref<5x128x128xf32, #tpu.memory_space<vmem>> -> memref<1x128x128xf32, #tpu.memory_space<vmem>>
    %dma_start3A_38 = tpu.memref_squeeze %dma_start3A_37 : memref<1x128x128xf32, #tpu.memory_space<vmem>> -> memref<128x128xf32, #tpu.memory_space<vmem>>
    %dma_start3A_39 = arith.constant 0 : i32
    %dma_start3A_40 = tpu.memref_slice %arg5[%dma_start3A_32, %dma_start3A_39] : memref<200x128xi32, #tpu.memory_space<vmem>> -> memref<1x128xi32, #tpu.memory_space<vmem>>
    %dma_start3A_41 = tpu.memref_squeeze %dma_start3A_40 : memref<1x128xi32, #tpu.memory_space<vmem>> -> memref<128xi32, #tpu.memory_space<vmem>>
    %dma_start3A_42 = arith.constant 0 : i32
    %dma_start3A_43 = arith.constant 0 : i32
    %dma_start3A_44 = tpu.memref_slice %arg3[%dma_start3A_42, %dma_start3A_43] : memref<1000000x128xf32, #tpu.memory_space<hbm>> -> memref<1000000x128xf32, #tpu.memory_space<hbm>>
    %dma_start3A_45 = tpu.memref_slice %arg7[%dma_start3A_34] : memref<5x!tpu.dma_semaphore, #tpu.memory_space<semaphore_mem>> -> memref<1x!tpu.dma_semaphore, #tpu.memory_space<semaphore_mem>>
    %dma_start3A_46 = tpu.memref_squeeze %dma_start3A_45 : memref<1x!tpu.dma_semaphore, #tpu.memory_space<semaphore_mem>> -> memref<!tpu.dma_semaphore, #tpu.memory_space<semaphore_mem>>
    tpu.enqueue_indirect_dma source(%dma_start3A_44 : memref<1000000x128xf32, #tpu.memory_space<hbm>>) target(%dma_start3A_38 : memref<128x128xf32, #tpu.memory_space<vmem>>) offsets(%dma_start3A_41 : memref<128xi32, #tpu.memory_space<vmem>>) semaphore(%dma_start3A_46 : memref<!tpu.dma_semaphore, #tpu.memory_space<semaphore_mem>>)
    %scan3A = arith.constant 0 : i32
    %scan3A_47 = arith.constant 0 : i32
    %scan3A_48 = arith.constant 40 : i32
    %scan3A_49 = arith.addi %scan3A_47, %scan3A_48 : i32
    %scan3A_50 = arith.constant 1 : i32
    scf.for %scan3A_141 = %scan3A_47 to %scan3A_49 step %scan3A_50  : i32 {
      %mul3A_142 = arith.constant 5 : i32
      %mul3A_143 = arith.muli %scan3A_141, %mul3A_142 : i32
      %add3A_144 = arith.constant 0 : i32
      %add3A_145 = arith.addi %mul3A_143, %add3A_144 : i32
      %add3A_146 = arith.constant 3 : i32
      %add3A_147 = arith.addi %add3A_145, %add3A_146 : i32
      %lt3A = arith.constant 200 : i32
      %lt3A_148 = arith.cmpi slt, %add3A_147, %lt3A : i32
      %convert_element_type3A = arith.extui %lt3A_148 : i1 to i32
      %cond3A = arith.constant 0 : i32
      %cond3A_149 = arith.cmpi ne, %convert_element_type3A, %cond3A : i32
      scf.if %cond3A_149 {
        %ge3A = arith.constant 5 : i32
        %ge3A_378 = arith.cmpi sge, %add3A_147, %ge3A : i32
        %convert_element_type3A_379 = arith.extui %ge3A_378 : i1 to i32
        %cond3A_380 = arith.constant 0 : i32
        %cond3A_381 = arith.cmpi ne, %convert_element_type3A_379, %cond3A_380 : i32
        scf.if %cond3A_381 {
          %dma_wait3A_396 = arith.constant 3 : i32
          %dma_wait3A_397 = arith.constant 3 : i32
          %dma_wait3A_398 = arith.constant 0 : i32
          %dma_wait3A_399 = arith.constant 0 : i32
          %dma_wait3A_400 = tpu.memref_slice %arg6[%dma_wait3A_396, %dma_wait3A_398, %dma_wait3A_399] : memref<5x128x128xf32, #tpu.memory_space<vmem>> -> memref<1x128x128xf32, #tpu.memory_space<vmem>>
          %dma_wait3A_401 = tpu.memref_squeeze %dma_wait3A_400 : memref<1x128x128xf32, #tpu.memory_space<vmem>> -> memref<128x128xf32, #tpu.memory_space<vmem>>
          %dma_wait3A_402 = arith.constant 0 : i32
          %dma_wait3A_403 = arith.constant 0 : i32
          %dma_wait3A_404 = tpu.memref_slice %arg4[%dma_wait3A_402, %dma_wait3A_403] : memref<819200x128xf32, #tpu.memory_space<hbm>> -> memref<128x128xf32, #tpu.memory_space<hbm>>
          %dma_wait3A_405 = tpu.memref_slice %arg8[%dma_wait3A_397] : memref<5x!tpu.dma_semaphore, #tpu.memory_space<semaphore_mem>> -> memref<1x!tpu.dma_semaphore, #tpu.memory_space<semaphore_mem>>
          %dma_wait3A_406 = tpu.memref_squeeze %dma_wait3A_405 : memref<1x!tpu.dma_semaphore, #tpu.memory_space<semaphore_mem>> -> memref<!tpu.dma_semaphore, #tpu.memory_space<semaphore_mem>>
          %dma_wait3A_407 = arith.constant 0 : i32
          %dma_wait3A_408 = arith.constant 0 : i32
          %dma_wait3A_409 = tpu.memref_slice %arg4[%dma_wait3A_407, %dma_wait3A_408] : memref<819200x128xf32, #tpu.memory_space<hbm>> -> memref<128x128xf32, #tpu.memory_space<hbm>>
          %dma_wait3A_410 = arith.constant 0 : i32
          %dma_wait3A_411 = arith.constant 0 : i32
          %dma_wait3A_412 = tpu.memref_slice %arg6[%dma_wait3A_396, %dma_wait3A_410, %dma_wait3A_411] : memref<5x128x128xf32, #tpu.memory_space<vmem>> -> memref<1x128x128xf32, #tpu.memory_space<vmem>>
          %dma_wait3A_413 = tpu.memref_squeeze %dma_wait3A_412 : memref<1x128x128xf32, #tpu.memory_space<vmem>> -> memref<128x128xf32, #tpu.memory_space<vmem>>
          tpu.wait_dma2 semaphore(%dma_wait3A_406 : memref<!tpu.dma_semaphore, #tpu.memory_space<semaphore_mem>>) src(%dma_wait3A_413 : memref<128x128xf32, #tpu.memory_space<vmem>>) dst(%dma_wait3A_409 : memref<128x128xf32, #tpu.memory_space<hbm>>)
        } else {
        }
        %dma_start3A_382 = arith.constant 3 : i32
        %dma_start3A_383 = arith.constant 3 : i32
        %dma_start3A_384 = arith.constant 0 : i32
        %dma_start3A_385 = arith.constant 0 : i32
        %dma_start3A_386 = tpu.memref_slice %arg6[%dma_start3A_382, %dma_start3A_384, %dma_start3A_385] : memref<5x128x128xf32, #tpu.memory_space<vmem>> -> memref<1x128x128xf32, #tpu.memory_space<vmem>>
        %dma_start3A_387 = tpu.memref_squeeze %dma_start3A_386 : memref<1x128x128xf32, #tpu.memory_space<vmem>> -> memref<128x128xf32, #tpu.memory_space<vmem>>
        %dma_start3A_388 = arith.constant 0 : i32
        %dma_start3A_389 = tpu.memref_slice %arg5[%add3A_147, %dma_start3A_388] : memref<200x128xi32, #tpu.memory_space<vmem>> -> memref<1x128xi32, #tpu.memory_space<vmem>>
        %dma_start3A_390 = tpu.memref_squeeze %dma_start3A_389 : memref<1x128xi32, #tpu.memory_space<vmem>> -> memref<128xi32, #tpu.memory_space<vmem>>
        %dma_start3A_391 = arith.constant 0 : i32
        %dma_start3A_392 = arith.constant 0 : i32
        %dma_start3A_393 = tpu.memref_slice %arg3[%dma_start3A_391, %dma_start3A_392] : memref<1000000x128xf32, #tpu.memory_space<hbm>> -> memref<1000000x128xf32, #tpu.memory_space<hbm>>
        %dma_start3A_394 = tpu.memref_slice %arg7[%dma_start3A_383] : memref<5x!tpu.dma_semaphore, #tpu.memory_space<semaphore_mem>> -> memref<1x!tpu.dma_semaphore, #tpu.memory_space<semaphore_mem>>
        %dma_start3A_395 = tpu.memref_squeeze %dma_start3A_394 : memref<1x!tpu.dma_semaphore, #tpu.memory_space<semaphore_mem>> -> memref<!tpu.dma_semaphore, #tpu.memory_space<semaphore_mem>>
        tpu.enqueue_indirect_dma source(%dma_start3A_393 : memref<1000000x128xf32, #tpu.memory_space<hbm>>) target(%dma_start3A_387 : memref<128x128xf32, #tpu.memory_space<vmem>>) offsets(%dma_start3A_390 : memref<128xi32, #tpu.memory_space<vmem>>) semaphore(%dma_start3A_395 : memref<!tpu.dma_semaphore, #tpu.memory_space<semaphore_mem>>)
      } else {
      }
      %dma_wait3A_150 = arith.constant 0 : i32
      %dma_wait3A_151 = arith.constant 0 : i32
      %dma_wait3A_152 = arith.constant 0 : i32
      %dma_wait3A_153 = arith.constant 0 : i32
      %dma_wait3A_154 = tpu.memref_slice %arg6[%dma_wait3A_150, %dma_wait3A_152, %dma_wait3A_153] : memref<5x128x128xf32, #tpu.memory_space<vmem>> -> memref<1x128x128xf32, #tpu.memory_space<vmem>>
      %dma_wait3A_155 = tpu.memref_squeeze %dma_wait3A_154 : memref<1x128x128xf32, #tpu.memory_space<vmem>> -> memref<128x128xf32, #tpu.memory_space<vmem>>
      %dma_wait3A_156 = arith.constant 0 : i32
      %dma_wait3A_157 = tpu.memref_slice %arg5[%add3A_145, %dma_wait3A_156] : memref<200x128xi32, #tpu.memory_space<vmem>> -> memref<1x128xi32, #tpu.memory_space<vmem>>
      %dma_wait3A_158 = tpu.memref_squeeze %dma_wait3A_157 : memref<1x128xi32, #tpu.memory_space<vmem>> -> memref<128xi32, #tpu.memory_space<vmem>>
      %dma_wait3A_159 = arith.constant 0 : i32
      %dma_wait3A_160 = arith.constant 0 : i32
      %dma_wait3A_161 = tpu.memref_slice %arg3[%dma_wait3A_159, %dma_wait3A_160] : memref<1000000x128xf32, #tpu.memory_space<hbm>> -> memref<1000000x128xf32, #tpu.memory_space<hbm>>
      %dma_wait3A_162 = tpu.memref_slice %arg7[%dma_wait3A_151] : memref<5x!tpu.dma_semaphore, #tpu.memory_space<semaphore_mem>> -> memref<1x!tpu.dma_semaphore, #tpu.memory_space<semaphore_mem>>
      %dma_wait3A_163 = tpu.memref_squeeze %dma_wait3A_162 : memref<1x!tpu.dma_semaphore, #tpu.memory_space<semaphore_mem>> -> memref<!tpu.dma_semaphore, #tpu.memory_space<semaphore_mem>>
      tpu.wait_indirect_dma semaphore(%dma_wait3A_163 : memref<!tpu.dma_semaphore, #tpu.memory_space<semaphore_mem>>) src(%dma_wait3A_161 : memref<1000000x128xf32, #tpu.memory_space<hbm>>) dst(%dma_wait3A_155 : memref<128x128xf32, #tpu.memory_space<vmem>>)
      %parallel_loop3A = arith.constant 0 : i32
      %parallel_loop3A_164 = arith.constant 128 : i32
      %parallel_loop3A_165 = arith.constant 1 : i32
      %parallel_loop3A_166 = arith.constant 0 : i32
      scf.for %parallel_loop3A_378 = %parallel_loop3A to %parallel_loop3A_164 step %parallel_loop3A_165  : i32 {
        %parallel_loop3A_379 = arith.constant 0 : i32
        %parallel_loop3A_380 = arith.constant 0 : i32
        %parallel_loop3A_381 = tpu.memref_slice %arg6[%parallel_loop3A_166, %parallel_loop3A_379, %parallel_loop3A_380] : memref<5x128x128xf32, #tpu.memory_space<vmem>> -> memref<1x128x128xf32, #tpu.memory_space<vmem>>
        %parallel_loop3A_382 = tpu.memref_squeeze %parallel_loop3A_381 : memref<1x128x128xf32, #tpu.memory_space<vmem>> -> memref<128x128xf32, #tpu.memory_space<vmem>>
        %parallel_loop3A_383 = arith.index_cast %parallel_loop3A_378 : i32 to index
        %parallel_loop3A_384 = arith.constant 0 : index
        %parallel_loop3A_385 = tpu.vector_load %parallel_loop3A_382[%parallel_loop3A_383, %parallel_loop3A_384] {strides = array<i32>} : memref<128x128xf32, #tpu.memory_space<vmem>>, vector<1x16xf32>,
        %parallel_loop3A_386 = vector.shape_cast %parallel_loop3A_385 : vector<1x16xf32> to vector<16xf32>
        %parallel_loop3A_387 = arith.constant 11.3137083 : f32
        %parallel_loop3A_388 = vector.broadcast %parallel_loop3A_387 : f32 to vector<16xf32>
        %parallel_loop3A_389 = arith.mulf %parallel_loop3A_386, %parallel_loop3A_388 : vector<16xf32>
        %parallel_loop3A_390 = arith.constant 0 : i32
        %parallel_loop3A_391 = arith.constant 0 : i32
        %parallel_loop3A_392 = tpu.memref_slice %arg6[%parallel_loop3A_166, %parallel_loop3A_390, %parallel_loop3A_391] : memref<5x128x128xf32, #tpu.memory_space<vmem>> -> memref<1x128x128xf32, #tpu.memory_space<vmem>>
        %parallel_loop3A_393 = tpu.memref_squeeze %parallel_loop3A_392 : memref<1x128x128xf32, #tpu.memory_space<vmem>> -> memref<128x128xf32, #tpu.memory_space<vmem>>
        %parallel_loop3A_394 = arith.index_cast %parallel_loop3A_378 : i32 to index
        %parallel_loop3A_395 = arith.constant 0 : index
        %parallel_loop3A_396 = tpu.vector_load %parallel_loop3A_393[%parallel_loop3A_394, %parallel_loop3A_395] {strides = array<i32>} : memref<128x128xf32, #tpu.memory_space<vmem>>, vector<1x16xf32>,
        %parallel_loop3A_397 = vector.shape_cast %parallel_loop3A_396 : vector<1x16xf32> to vector<16xf32>
        %parallel_loop3A_398 = vector.shape_cast %parallel_loop3A_389 : vector<16xf32> to vector<1x16xf32>
        tpu.vector_store %parallel_loop3A_393[%parallel_loop3A_394, %parallel_loop3A_395], %parallel_loop3A_398 {strides = array<i32>} : memref<128x128xf32, #tpu.memory_space<vmem>>, vector<1x16xf32>,
        %parallel_loop3A_399 = arith.constant 0 : i32
        %parallel_loop3A_400 = arith.constant 0 : i32
        %parallel_loop3A_401 = tpu.memref_slice %arg6[%parallel_loop3A_166, %parallel_loop3A_399, %parallel_loop3A_400] : memref<5x128x128xf32, #tpu.memory_space<vmem>> -> memref<1x128x128xf32, #tpu.memory_space<vmem>>
        %parallel_loop3A_402 = tpu.memref_squeeze %parallel_loop3A_401 : memref<1x128x128xf32, #tpu.memory_space<vmem>> -> memref<128x128xf32, #tpu.memory_space<vmem>>
        %parallel_loop3A_403 = arith.index_cast %parallel_loop3A_378 : i32 to index
        %parallel_loop3A_404 = arith.constant 16 : index
        %parallel_loop3A_405 = tpu.vector_load %parallel_loop3A_402[%parallel_loop3A_403, %parallel_loop3A_404] {strides = array<i32>} : memref<128x128xf32, #tpu.memory_space<vmem>>, vector<1x16xf32>,
        %parallel_loop3A_406 = vector.shape_cast %parallel_loop3A_405 : vector<1x16xf32> to vector<16xf32>
        %parallel_loop3A_407 = arith.constant 11.3137083 : f32
        %parallel_loop3A_408 = vector.broadcast %parallel_loop3A_407 : f32 to vector<16xf32>
        %parallel_loop3A_409 = arith.mulf %parallel_loop3A_406, %parallel_loop3A_408 : vector<16xf32>
        %parallel_loop3A_410 = arith.constant 0 : i32
        %parallel_loop3A_411 = arith.constant 0 : i32
        %parallel_loop3A_412 = tpu.memref_slice %arg6[%parallel_loop3A_166, %parallel_loop3A_410, %parallel_loop3A_411] : memref<5x128x128xf32, #tpu.memory_space<vmem>> -> memref<1x128x128xf32, #tpu.memory_space<vmem>>
        %parallel_loop3A_413 = tpu.memref_squeeze %parallel_loop3A_412 : memref<1x128x128xf32, #tpu.memory_space<vmem>> -> memref<128x128xf32, #tpu.memory_space<vmem>>
        %parallel_loop3A_414 = arith.index_cast %parallel_loop3A_378 : i32 to index
        %parallel_loop3A_415 = arith.constant 16 : index
        %parallel_loop3A_416 = tpu.vector_load %parallel_loop3A_413[%parallel_loop3A_414, %parallel_loop3A_415] {strides = array<i32>} : memref<128x128xf32, #tpu.memory_space<vmem>>, vector<1x16xf32>,
        %parallel_loop3A_417 = vector.shape_cast %parallel_loop3A_416 : vector<1x16xf32> to vector<16xf32>
        %parallel_loop3A_418 = vector.shape_cast %parallel_loop3A_409 : vector<16xf32> to vector<1x16xf32>
        tpu.vector_store %parallel_loop3A_413[%parallel_loop3A_414, %parallel_loop3A_415], %parallel_loop3A_418 {strides = array<i32>} : memref<128x128xf32, #tpu.memory_space<vmem>>, vector<1x16xf32>,
        %parallel_loop3A_419 = arith.constant 0 : i32
        %parallel_loop3A_420 = arith.constant 0 : i32
        %parallel_loop3A_421 = tpu.memref_slice %arg6[%parallel_loop3A_166, %parallel_loop3A_419, %parallel_loop3A_420] : memref<5x128x128xf32, #tpu.memory_space<vmem>> -> memref<1x128x128xf32, #tpu.memory_space<vmem>>
        %parallel_loop3A_422 = tpu.memref_squeeze %parallel_loop3A_421 : memref<1x128x128xf32, #tpu.memory_space<vmem>> -> memref<128x128xf32, #tpu.memory_space<vmem>>
        %parallel_loop3A_423 = arith.index_cast %parallel_loop3A_378 : i32 to index
        %parallel_loop3A_424 = arith.constant 32 : index
        %parallel_loop3A_425 = tpu.vector_load %parallel_loop3A_422[%parallel_loop3A_423, %parallel_loop3A_424] {strides = array<i32>} : memref<128x128xf32, #tpu.memory_space<vmem>>, vector<1x16xf32>,
        %parallel_loop3A_426 = vector.shape_cast %parallel_loop3A_425 : vector<1x16xf32> to vector<16xf32>
        %parallel_loop3A_427 = arith.constant 11.3137083 : f32
        %parallel_loop3A_428 = vector.broadcast %parallel_loop3A_427 : f32 to vector<16xf32>
        %parallel_loop3A_429 = arith.mulf %parallel_loop3A_426, %parallel_loop3A_428 : vector<16xf32>
        %parallel_loop3A_430 = arith.constant 0 : i32
        %parallel_loop3A_431 = arith.constant 0 : i32
        %parallel_loop3A_432 = tpu.memref_slice %arg6[%parallel_loop3A_166, %parallel_loop3A_430, %parallel_loop3A_431] : memref<5x128x128xf32, #tpu.memory_space<vmem>> -> memref<1x128x128xf32, #tpu.memory_space<vmem>>
        %parallel_loop3A_433 = tpu.memref_squeeze %parallel_loop3A_432 : memref<1x128x128xf32, #tpu.memory_space<vmem>> -> memref<128x128xf32, #tpu.memory_space<vmem>>
        %parallel_loop3A_434 = arith.index_cast %parallel_loop3A_378 : i32 to index
        %parallel_loop3A_435 = arith.constant 32 : index
        %parallel_loop3A_436 = tpu.vector_load %parallel_loop3A_433[%parallel_loop3A_434, %parallel_loop3A_435] {strides = array<i32>} : memref<128x128xf32, #tpu.memory_space<vmem>>, vector<1x16xf32>,
        %parallel_loop3A_437 = vector.shape_cast %parallel_loop3A_436 : vector<1x16xf32> to vector<16xf32>
        %parallel_loop3A_438 = vector.shape_cast %parallel_loop3A_429 : vector<16xf32> to vector<1x16xf32>
        tpu.vector_store %parallel_loop3A_433[%parallel_loop3A_434, %parallel_loop3A_435], %parallel_loop3A_438 {strides = array<i32>} : memref<128x128xf32, #tpu.memory_space<vmem>>, vector<1x16xf32>,
        %parallel_loop3A_439 = arith.constant 0 : i32
        %parallel_loop3A_440 = arith.constant 0 : i32
        %parallel_loop3A_441 = tpu.memref_slice %arg6[%parallel_loop3A_166, %parallel_loop3A_439, %parallel_loop3A_440] : memref<5x128x128xf32, #tpu.memory_space<vmem>> -> memref<1x128x128xf32, #tpu.memory_space<vmem>>
        %parallel_loop3A_442 = tpu.memref_squeeze %parallel_loop3A_441 : memref<1x128x128xf32, #tpu.memory_space<vmem>> -> memref<128x128xf32, #tpu.memory_space<vmem>>
        %parallel_loop3A_443 = arith.index_cast %parallel_loop3A_378 : i32 to index
        %parallel_loop3A_444 = arith.constant 48 : index
        %parallel_loop3A_445 = tpu.vector_load %parallel_loop3A_442[%parallel_loop3A_443, %parallel_loop3A_444] {strides = array<i32>} : memref<128x128xf32, #tpu.memory_space<vmem>>, vector<1x16xf32>,
        %parallel_loop3A_446 = vector.shape_cast %parallel_loop3A_445 : vector<1x16xf32> to vector<16xf32>
        %parallel_loop3A_447 = arith.constant 11.3137083 : f32
        %parallel_loop3A_448 = vector.broadcast %parallel_loop3A_447 : f32 to vector<16xf32>
        %parallel_loop3A_449 = arith.mulf %parallel_loop3A_446, %parallel_loop3A_448 : vector<16xf32>
        %parallel_loop3A_450 = arith.constant 0 : i32
        %parallel_loop3A_451 = arith.constant 0 : i32
        %parallel_loop3A_452 = tpu.memref_slice %arg6[%parallel_loop3A_166, %parallel_loop3A_450, %parallel_loop3A_451] : memref<5x128x128xf32, #tpu.memory_space<vmem>> -> memref<1x128x128xf32, #tpu.memory_space<vmem>>
        %parallel_loop3A_453 = tpu.memref_squeeze %parallel_loop3A_452 : memref<1x128x128xf32, #tpu.memory_space<vmem>> -> memref<128x128xf32, #tpu.memory_space<vmem>>
        %parallel_loop3A_454 = arith.index_cast %parallel_loop3A_378 : i32 to index
        %parallel_loop3A_455 = arith.constant 48 : index
        %parallel_loop3A_456 = tpu.vector_load %parallel_loop3A_453[%parallel_loop3A_454, %parallel_loop3A_455] {strides = array<i32>} : memref<128x128xf32, #tpu.memory_space<vmem>>, vector<1x16xf32>,
        %parallel_loop3A_457 = vector.shape_cast %parallel_loop3A_456 : vector<1x16xf32> to vector<16xf32>
        %parallel_loop3A_458 = vector.shape_cast %parallel_loop3A_449 : vector<16xf32> to vector<1x16xf32>
        tpu.vector_store %parallel_loop3A_453[%parallel_loop3A_454, %parallel_loop3A_455], %parallel_loop3A_458 {strides = array<i32>} : memref<128x128xf32, #tpu.memory_space<vmem>>, vector<1x16xf32>,
        %parallel_loop3A_459 = arith.constant 0 : i32
        %parallel_loop3A_460 = arith.constant 0 : i32
        %parallel_loop3A_461 = tpu.memref_slice %arg6[%parallel_loop3A_166, %parallel_loop3A_459, %parallel_loop3A_460] : memref<5x128x128xf32, #tpu.memory_space<vmem>> -> memref<1x128x128xf32, #tpu.memory_space<vmem>>
        %parallel_loop3A_462 = tpu.memref_squeeze %parallel_loop3A_461 : memref<1x128x128xf32, #tpu.memory_space<vmem>> -> memref<128x128xf32, #tpu.memory_space<vmem>>
        %parallel_loop3A_463 = arith.index_cast %parallel_loop3A_378 : i32 to index
        %parallel_loop3A_464 = arith.constant 64 : index
        %parallel_loop3A_465 = tpu.vector_load %parallel_loop3A_462[%parallel_loop3A_463, %parallel_loop3A_464] {strides = array<i32>} : memref<128x128xf32, #tpu.memory_space<vmem>>, vector<1x16xf32>,
        %parallel_loop3A_466 = vector.shape_cast %parallel_loop3A_465 : vector<1x16xf32> to vector<16xf32>
        %parallel_loop3A_467 = arith.constant 11.3137083 : f32
        %parallel_loop3A_468 = vector.broadcast %parallel_loop3A_467 : f32 to vector<16xf32>
        %parallel_loop3A_469 = arith.mulf %parallel_loop3A_466, %parallel_loop3A_468 : vector<16xf32>
        %parallel_loop3A_470 = arith.constant 0 : i32
        %parallel_loop3A_471 = arith.constant 0 : i32
        %parallel_loop3A_472 = tpu.memref_slice %arg6[%parallel_loop3A_166, %parallel_loop3A_470, %parallel_loop3A_471] : memref<5x128x128xf32, #tpu.memory_space<vmem>> -> memref<1x128x128xf32, #tpu.memory_space<vmem>>
        %parallel_loop3A_473 = tpu.memref_squeeze %parallel_loop3A_472 : memref<1x128x128xf32, #tpu.memory_space<vmem>> -> memref<128x128xf32, #tpu.memory_space<vmem>>
        %parallel_loop3A_474 = arith.index_cast %parallel_loop3A_378 : i32 to index
        %parallel_loop3A_475 = arith.constant 64 : index
        %parallel_loop3A_476 = tpu.vector_load %parallel_loop3A_473[%parallel_loop3A_474, %parallel_loop3A_475] {strides = array<i32>} : memref<128x128xf32, #tpu.memory_space<vmem>>, vector<1x16xf32>,
        %parallel_loop3A_477 = vector.shape_cast %parallel_loop3A_476 : vector<1x16xf32> to vector<16xf32>
        %parallel_loop3A_478 = vector.shape_cast %parallel_loop3A_469 : vector<16xf32> to vector<1x16xf32>
        tpu.vector_store %parallel_loop3A_473[%parallel_loop3A_474, %parallel_loop3A_475], %parallel_loop3A_478 {strides = array<i32>} : memref<128x128xf32, #tpu.memory_space<vmem>>, vector<1x16xf32>,
        %parallel_loop3A_479 = arith.constant 0 : i32
        %parallel_loop3A_480 = arith.constant 0 : i32
        %parallel_loop3A_481 = tpu.memref_slice %arg6[%parallel_loop3A_166, %parallel_loop3A_479, %parallel_loop3A_480] : memref<5x128x128xf32, #tpu.memory_space<vmem>> -> memref<1x128x128xf32, #tpu.memory_space<vmem>>
        %parallel_loop3A_482 = tpu.memref_squeeze %parallel_loop3A_481 : memref<1x128x128xf32, #tpu.memory_space<vmem>> -> memref<128x128xf32, #tpu.memory_space<vmem>>
        %parallel_loop3A_483 = arith.index_cast %parallel_loop3A_378 : i32 to index
        %parallel_loop3A_484 = arith.constant 80 : index
        %parallel_loop3A_485 = tpu.vector_load %parallel_loop3A_482[%parallel_loop3A_483, %parallel_loop3A_484] {strides = array<i32>} : memref<128x128xf32, #tpu.memory_space<vmem>>, vector<1x16xf32>,
        %parallel_loop3A_486 = vector.shape_cast %parallel_loop3A_485 : vector<1x16xf32> to vector<16xf32>
        %parallel_loop3A_487 = arith.constant 11.3137083 : f32
        %parallel_loop3A_488 = vector.broadcast %parallel_loop3A_487 : f32 to vector<16xf32>
        %parallel_loop3A_489 = arith.mulf %parallel_loop3A_486, %parallel_loop3A_488 : vector<16xf32>
        %parallel_loop3A_490 = arith.constant 0 : i32
        %parallel_loop3A_491 = arith.constant 0 : i32
        %parallel_loop3A_492 = tpu.memref_slice %arg6[%parallel_loop3A_166, %parallel_loop3A_490, %parallel_loop3A_491] : memref<5x128x128xf32, #tpu.memory_space<vmem>> -> memref<1x128x128xf32, #tpu.memory_space<vmem>>
        %parallel_loop3A_493 = tpu.memref_squeeze %parallel_loop3A_492 : memref<1x128x128xf32, #tpu.memory_space<vmem>> -> memref<128x128xf32, #tpu.memory_space<vmem>>
        %parallel_loop3A_494 = arith.index_cast %parallel_loop3A_378 : i32 to index
        %parallel_loop3A_495 = arith.constant 80 : index
        %parallel_loop3A_496 = tpu.vector_load %parallel_loop3A_493[%parallel_loop3A_494, %parallel_loop3A_495] {strides = array<i32>} : memref<128x128xf32, #tpu.memory_space<vmem>>, vector<1x16xf32>,
        %parallel_loop3A_497 = vector.shape_cast %parallel_loop3A_496 : vector<1x16xf32> to vector<16xf32>
        %parallel_loop3A_498 = vector.shape_cast %parallel_loop3A_489 : vector<16xf32> to vector<1x16xf32>
        tpu.vector_store %parallel_loop3A_493[%parallel_loop3A_494, %parallel_loop3A_495], %parallel_loop3A_498 {strides = array<i32>} : memref<128x128xf32, #tpu.memory_space<vmem>>, vector<1x16xf32>,
        %parallel_loop3A_499 = arith.constant 0 : i32
        %parallel_loop3A_500 = arith.constant 0 : i32
        %parallel_loop3A_501 = tpu.memref_slice %arg6[%parallel_loop3A_166, %parallel_loop3A_499, %parallel_loop3A_500] : memref<5x128x128xf32, #tpu.memory_space<vmem>> -> memref<1x128x128xf32, #tpu.memory_space<vmem>>
        %parallel_loop3A_502 = tpu.memref_squeeze %parallel_loop3A_501 : memref<1x128x128xf32, #tpu.memory_space<vmem>> -> memref<128x128xf32, #tpu.memory_space<vmem>>
        %parallel_loop3A_503 = arith.index_cast %parallel_loop3A_378 : i32 to index
        %parallel_loop3A_504 = arith.constant 96 : index
        %parallel_loop3A_505 = tpu.vector_load %parallel_loop3A_502[%parallel_loop3A_503, %parallel_loop3A_504] {strides = array<i32>} : memref<128x128xf32, #tpu.memory_space<vmem>>, vector<1x16xf32>,
        %parallel_loop3A_506 = vector.shape_cast %parallel_loop3A_505 : vector<1x16xf32> to vector<16xf32>
        %parallel_loop3A_507 = arith.constant 11.3137083 : f32
        %parallel_loop3A_508 = vector.broadcast %parallel_loop3A_507 : f32 to vector<16xf32>
        %parallel_loop3A_509 = arith.mulf %parallel_loop3A_506, %parallel_loop3A_508 : vector<16xf32>
        %parallel_loop3A_510 = arith.constant 0 : i32
        %parallel_loop3A_511 = arith.constant 0 : i32
        %parallel_loop3A_512 = tpu.memref_slice %arg6[%parallel_loop3A_166, %parallel_loop3A_510, %parallel_loop3A_511] : memref<5x128x128xf32, #tpu.memory_space<vmem>> -> memref<1x128x128xf32, #tpu.memory_space<vmem>>
        %parallel_loop3A_513 = tpu.memref_squeeze %parallel_loop3A_512 : memref<1x128x128xf32, #tpu.memory_space<vmem>> -> memref<128x128xf32, #tpu.memory_space<vmem>>
        %parallel_loop3A_514 = arith.index_cast %parallel_loop3A_378 : i32 to index
        %parallel_loop3A_515 = arith.constant 96 : index
        %parallel_loop3A_516 = tpu.vector_load %parallel_loop3A_513[%parallel_loop3A_514, %parallel_loop3A_515] {strides = array<i32>} : memref<128x128xf32, #tpu.memory_space<vmem>>, vector<1x16xf32>,
        %parallel_loop3A_517 = vector.shape_cast %parallel_loop3A_516 : vector<1x16xf32> to vector<16xf32>
        %parallel_loop3A_518 = vector.shape_cast %parallel_loop3A_509 : vector<16xf32> to vector<1x16xf32>
        tpu.vector_store %parallel_loop3A_513[%parallel_loop3A_514, %parallel_loop3A_515], %parallel_loop3A_518 {strides = array<i32>} : memref<128x128xf32, #tpu.memory_space<vmem>>, vector<1x16xf32>,
        %parallel_loop3A_519 = arith.constant 0 : i32
        %parallel_loop3A_520 = arith.constant 0 : i32
        %parallel_loop3A_521 = tpu.memref_slice %arg6[%parallel_loop3A_166, %parallel_loop3A_519, %parallel_loop3A_520] : memref<5x128x128xf32, #tpu.memory_space<vmem>> -> memref<1x128x128xf32, #tpu.memory_space<vmem>>
        %parallel_loop3A_522 = tpu.memref_squeeze %parallel_loop3A_521 : memref<1x128x128xf32, #tpu.memory_space<vmem>> -> memref<128x128xf32, #tpu.memory_space<vmem>>
        %parallel_loop3A_523 = arith.index_cast %parallel_loop3A_378 : i32 to index
        %parallel_loop3A_524 = arith.constant 112 : index
        %parallel_loop3A_525 = tpu.vector_load %parallel_loop3A_522[%parallel_loop3A_523, %parallel_loop3A_524] {strides = array<i32>} : memref<128x128xf32, #tpu.memory_space<vmem>>, vector<1x16xf32>,
        %parallel_loop3A_526 = vector.shape_cast %parallel_loop3A_525 : vector<1x16xf32> to vector<16xf32>
        %parallel_loop3A_527 = arith.constant 11.3137083 : f32
        %parallel_loop3A_528 = vector.broadcast %parallel_loop3A_527 : f32 to vector<16xf32>
        %parallel_loop3A_529 = arith.mulf %parallel_loop3A_526, %parallel_loop3A_528 : vector<16xf32>
        %parallel_loop3A_530 = arith.constant 0 : i32
        %parallel_loop3A_531 = arith.constant 0 : i32
        %parallel_loop3A_532 = tpu.memref_slice %arg6[%parallel_loop3A_166, %parallel_loop3A_530, %parallel_loop3A_531] : memref<5x128x128xf32, #tpu.memory_space<vmem>> -> memref<1x128x128xf32, #tpu.memory_space<vmem>>
        %parallel_loop3A_533 = tpu.memref_squeeze %parallel_loop3A_532 : memref<1x128x128xf32, #tpu.memory_space<vmem>> -> memref<128x128xf32, #tpu.memory_space<vmem>>
        %parallel_loop3A_534 = arith.index_cast %parallel_loop3A_378 : i32 to index
        %parallel_loop3A_535 = arith.constant 112 : index
        %parallel_loop3A_536 = tpu.vector_load %parallel_loop3A_533[%parallel_loop3A_534, %parallel_loop3A_535] {strides = array<i32>} : memref<128x128xf32, #tpu.memory_space<vmem>>, vector<1x16xf32>,
        %parallel_loop3A_537 = vector.shape_cast %parallel_loop3A_536 : vector<1x16xf32> to vector<16xf32>
        %parallel_loop3A_538 = vector.shape_cast %parallel_loop3A_529 : vector<16xf32> to vector<1x16xf32>
        tpu.vector_store %parallel_loop3A_533[%parallel_loop3A_534, %parallel_loop3A_535], %parallel_loop3A_538 {strides = array<i32>} : memref<128x128xf32, #tpu.memory_space<vmem>>, vector<1x16xf32>,
      } {sc.loop_unroll_factor = 2 : i64, sc.parallel_access}
      %mul3A_167 = arith.constant 128 : i32
      %mul3A_168 = arith.muli %add3A_145, %mul3A_167 : i32
      %add3A_169 = arith.addi %mul3A_2, %mul3A_168 : i32
      %dma_start3A_170 = arith.constant 0 : i32
      %dma_start3A_171 = arith.constant 0 : i32
      %dma_start3A_172 = arith.constant 0 : i32
      %dma_start3A_173 = arith.constant 0 : i32
      %dma_start3A_174 = tpu.memref_slice %arg6[%dma_start3A_170, %dma_start3A_172, %dma_start3A_173] : memref<5x128x128xf32, #tpu.memory_space<vmem>> -> memref<1x128x128xf32, #tpu.memory_space<vmem>>
      %dma_start3A_175 = tpu.memref_squeeze %dma_start3A_174 : memref<1x128x128xf32, #tpu.memory_space<vmem>> -> memref<128x128xf32, #tpu.memory_space<vmem>>
      %dma_start3A_176 = arith.constant 0 : i32
      %dma_start3A_177 = tpu.memref_slice %arg4[%add3A_169, %dma_start3A_176] : memref<819200x128xf32, #tpu.memory_space<hbm>> -> memref<128x128xf32, #tpu.memory_space<hbm>>
      %dma_start3A_178 = tpu.memref_slice %arg8[%dma_start3A_171] : memref<5x!tpu.dma_semaphore, #tpu.memory_space<semaphore_mem>> -> memref<1x!tpu.dma_semaphore, #tpu.memory_space<semaphore_mem>>
      %dma_start3A_179 = tpu.memref_squeeze %dma_start3A_178 : memref<1x!tpu.dma_semaphore, #tpu.memory_space<semaphore_mem>> -> memref<!tpu.dma_semaphore, #tpu.memory_space<semaphore_mem>>
      %dma_start3A_180 = arith.constant 0 : i32
      %dma_start3A_181 = tpu.memref_slice %arg4[%add3A_169, %dma_start3A_180] : memref<819200x128xf32, #tpu.memory_space<hbm>> -> memref<128x128xf32, #tpu.memory_space<hbm>>
      %dma_start3A_182 = arith.constant 0 : i32
      %dma_start3A_183 = arith.constant 0 : i32
      %dma_start3A_184 = tpu.memref_slice %arg6[%dma_start3A_170, %dma_start3A_182, %dma_start3A_183] : memref<5x128x128xf32, #tpu.memory_space<vmem>> -> memref<1x128x128xf32, #tpu.memory_space<vmem>>
      %dma_start3A_185 = tpu.memref_squeeze %dma_start3A_184 : memref<1x128x128xf32, #tpu.memory_space<vmem>> -> memref<128x128xf32, #tpu.memory_space<vmem>>
      tpu.enqueue_dma source(%dma_start3A_185 : memref<128x128xf32, #tpu.memory_space<vmem>>) target(%dma_start3A_181 : memref<128x128xf32, #tpu.memory_space<hbm>>) target_semaphore(%dma_start3A_179 : memref<!tpu.dma_semaphore, #tpu.memory_space<semaphore_mem>>)
      %mul3A_186 = arith.constant 5 : i32
      %mul3A_187 = arith.muli %scan3A_141, %mul3A_186 : i32
      %add3A_188 = arith.constant 1 : i32
      %add3A_189 = arith.addi %mul3A_187, %add3A_188 : i32
      %add3A_190 = arith.constant 3 : i32
      %add3A_191 = arith.addi %add3A_189, %add3A_190 : i32
      %lt3A_192 = arith.constant 200 : i32
      %lt3A_193 = arith.cmpi slt, %add3A_191, %lt3A_192 : i32
      %convert_element_type3A_194 = arith.extui %lt3A_193 : i1 to i32
      %cond3A_195 = arith.constant 0 : i32
      %cond3A_196 = arith.cmpi ne, %convert_element_type3A_194, %cond3A_195 : i32
      scf.if %cond3A_196 {
        %ge3A = arith.constant 5 : i32
        %ge3A_378 = arith.cmpi sge, %add3A_191, %ge3A : i32
        %convert_element_type3A_379 = arith.extui %ge3A_378 : i1 to i32
        %cond3A_380 = arith.constant 0 : i32
        %cond3A_381 = arith.cmpi ne, %convert_element_type3A_379, %cond3A_380 : i32
        scf.if %cond3A_381 {
          %dma_wait3A_396 = arith.constant 4 : i32
          %dma_wait3A_397 = arith.constant 4 : i32
          %dma_wait3A_398 = arith.constant 0 : i32
          %dma_wait3A_399 = arith.constant 0 : i32
          %dma_wait3A_400 = tpu.memref_slice %arg6[%dma_wait3A_396, %dma_wait3A_398, %dma_wait3A_399] : memref<5x128x128xf32, #tpu.memory_space<vmem>> -> memref<1x128x128xf32, #tpu.memory_space<vmem>>
          %dma_wait3A_401 = tpu.memref_squeeze %dma_wait3A_400 : memref<1x128x128xf32, #tpu.memory_space<vmem>> -> memref<128x128xf32, #tpu.memory_space<vmem>>
          %dma_wait3A_402 = arith.constant 0 : i32
          %dma_wait3A_403 = arith.constant 0 : i32
          %dma_wait3A_404 = tpu.memref_slice %arg4[%dma_wait3A_402, %dma_wait3A_403] : memref<819200x128xf32, #tpu.memory_space<hbm>> -> memref<128x128xf32, #tpu.memory_space<hbm>>
          %dma_wait3A_405 = tpu.memref_slice %arg8[%dma_wait3A_397] : memref<5x!tpu.dma_semaphore, #tpu.memory_space<semaphore_mem>> -> memref<1x!tpu.dma_semaphore, #tpu.memory_space<semaphore_mem>>
          %dma_wait3A_406 = tpu.memref_squeeze %dma_wait3A_405 : memref<1x!tpu.dma_semaphore, #tpu.memory_space<semaphore_mem>> -> memref<!tpu.dma_semaphore, #tpu.memory_space<semaphore_mem>>
          %dma_wait3A_407 = arith.constant 0 : i32
          %dma_wait3A_408 = arith.constant 0 : i32
          %dma_wait3A_409 = tpu.memref_slice %arg4[%dma_wait3A_407, %dma_wait3A_408] : memref<819200x128xf32, #tpu.memory_space<hbm>> -> memref<128x128xf32, #tpu.memory_space<hbm>>
          %dma_wait3A_410 = arith.constant 0 : i32
          %dma_wait3A_411 = arith.constant 0 : i32
          %dma_wait3A_412 = tpu.memref_slice %arg6[%dma_wait3A_396, %dma_wait3A_410, %dma_wait3A_411] : memref<5x128x128xf32, #tpu.memory_space<vmem>> -> memref<1x128x128xf32, #tpu.memory_space<vmem>>
          %dma_wait3A_413 = tpu.memref_squeeze %dma_wait3A_412 : memref<1x128x128xf32, #tpu.memory_space<vmem>> -> memref<128x128xf32, #tpu.memory_space<vmem>>
          tpu.wait_dma2 semaphore(%dma_wait3A_406 : memref<!tpu.dma_semaphore, #tpu.memory_space<semaphore_mem>>) src(%dma_wait3A_413 : memref<128x128xf32, #tpu.memory_space<vmem>>) dst(%dma_wait3A_409 : memref<128x128xf32, #tpu.memory_space<hbm>>)
        } else {
        }
        %dma_start3A_382 = arith.constant 4 : i32
        %dma_start3A_383 = arith.constant 4 : i32
        %dma_start3A_384 = arith.constant 0 : i32
        %dma_start3A_385 = arith.constant 0 : i32
        %dma_start3A_386 = tpu.memref_slice %arg6[%dma_start3A_382, %dma_start3A_384, %dma_start3A_385] : memref<5x128x128xf32, #tpu.memory_space<vmem>> -> memref<1x128x128xf32, #tpu.memory_space<vmem>>
        %dma_start3A_387 = tpu.memref_squeeze %dma_start3A_386 : memref<1x128x128xf32, #tpu.memory_space<vmem>> -> memref<128x128xf32, #tpu.memory_space<vmem>>
        %dma_start3A_388 = arith.constant 0 : i32
        %dma_start3A_389 = tpu.memref_slice %arg5[%add3A_191, %dma_start3A_388] : memref<200x128xi32, #tpu.memory_space<vmem>> -> memref<1x128xi32, #tpu.memory_space<vmem>>
        %dma_start3A_390 = tpu.memref_squeeze %dma_start3A_389 : memref<1x128xi32, #tpu.memory_space<vmem>> -> memref<128xi32, #tpu.memory_space<vmem>>
        %dma_start3A_391 = arith.constant 0 : i32
        %dma_start3A_392 = arith.constant 0 : i32
        %dma_start3A_393 = tpu.memref_slice %arg3[%dma_start3A_391, %dma_start3A_392] : memref<1000000x128xf32, #tpu.memory_space<hbm>> -> memref<1000000x128xf32, #tpu.memory_space<hbm>>
        %dma_start3A_394 = tpu.memref_slice %arg7[%dma_start3A_383] : memref<5x!tpu.dma_semaphore, #tpu.memory_space<semaphore_mem>> -> memref<1x!tpu.dma_semaphore, #tpu.memory_space<semaphore_mem>>
        %dma_start3A_395 = tpu.memref_squeeze %dma_start3A_394 : memref<1x!tpu.dma_semaphore, #tpu.memory_space<semaphore_mem>> -> memref<!tpu.dma_semaphore, #tpu.memory_space<semaphore_mem>>
        tpu.enqueue_indirect_dma source(%dma_start3A_393 : memref<1000000x128xf32, #tpu.memory_space<hbm>>) target(%dma_start3A_387 : memref<128x128xf32, #tpu.memory_space<vmem>>) offsets(%dma_start3A_390 : memref<128xi32, #tpu.memory_space<vmem>>) semaphore(%dma_start3A_395 : memref<!tpu.dma_semaphore, #tpu.memory_space<semaphore_mem>>)
      } else {
      }
      %dma_wait3A_197 = arith.constant 1 : i32
      %dma_wait3A_198 = arith.constant 1 : i32
      %dma_wait3A_199 = arith.constant 0 : i32
      %dma_wait3A_200 = arith.constant 0 : i32
      %dma_wait3A_201 = tpu.memref_slice %arg6[%dma_wait3A_197, %dma_wait3A_199, %dma_wait3A_200] : memref<5x128x128xf32, #tpu.memory_space<vmem>> -> memref<1x128x128xf32, #tpu.memory_space<vmem>>
      %dma_wait3A_202 = tpu.memref_squeeze %dma_wait3A_201 : memref<1x128x128xf32, #tpu.memory_space<vmem>> -> memref<128x128xf32, #tpu.memory_space<vmem>>
      %dma_wait3A_203 = arith.constant 0 : i32
      %dma_wait3A_204 = tpu.memref_slice %arg5[%add3A_189, %dma_wait3A_203] : memref<200x128xi32, #tpu.memory_space<vmem>> -> memref<1x128xi32, #tpu.memory_space<vmem>>
      %dma_wait3A_205 = tpu.memref_squeeze %dma_wait3A_204 : memref<1x128xi32, #tpu.memory_space<vmem>> -> memref<128xi32, #tpu.memory_space<vmem>>
      %dma_wait3A_206 = arith.constant 0 : i32
      %dma_wait3A_207 = arith.constant 0 : i32
      %dma_wait3A_208 = tpu.memref_slice %arg3[%dma_wait3A_206, %dma_wait3A_207] : memref<1000000x128xf32, #tpu.memory_space<hbm>> -> memref<1000000x128xf32, #tpu.memory_space<hbm>>
      %dma_wait3A_209 = tpu.memref_slice %arg7[%dma_wait3A_198] : memref<5x!tpu.dma_semaphore, #tpu.memory_space<semaphore_mem>> -> memref<1x!tpu.dma_semaphore, #tpu.memory_space<semaphore_mem>>
      %dma_wait3A_210 = tpu.memref_squeeze %dma_wait3A_209 : memref<1x!tpu.dma_semaphore, #tpu.memory_space<semaphore_mem>> -> memref<!tpu.dma_semaphore, #tpu.memory_space<semaphore_mem>>
      tpu.wait_indirect_dma semaphore(%dma_wait3A_210 : memref<!tpu.dma_semaphore, #tpu.memory_space<semaphore_mem>>) src(%dma_wait3A_208 : memref<1000000x128xf32, #tpu.memory_space<hbm>>) dst(%dma_wait3A_202 : memref<128x128xf32, #tpu.memory_space<vmem>>)
      %parallel_loop3A_211 = arith.constant 0 : i32
      %parallel_loop3A_212 = arith.constant 128 : i32
      %parallel_loop3A_213 = arith.constant 1 : i32
      %parallel_loop3A_214 = arith.constant 1 : i32
      scf.for %parallel_loop3A_378 = %parallel_loop3A_211 to %parallel_loop3A_212 step %parallel_loop3A_213  : i32 {
        %parallel_loop3A_379 = arith.constant 0 : i32
        %parallel_loop3A_380 = arith.constant 0 : i32
        %parallel_loop3A_381 = tpu.memref_slice %arg6[%parallel_loop3A_214, %parallel_loop3A_379, %parallel_loop3A_380] : memref<5x128x128xf32, #tpu.memory_space<vmem>> -> memref<1x128x128xf32, #tpu.memory_space<vmem>>
        %parallel_loop3A_382 = tpu.memref_squeeze %parallel_loop3A_381 : memref<1x128x128xf32, #tpu.memory_space<vmem>> -> memref<128x128xf32, #tpu.memory_space<vmem>>
        %parallel_loop3A_383 = arith.index_cast %parallel_loop3A_378 : i32 to index
        %parallel_loop3A_384 = arith.constant 0 : index
        %parallel_loop3A_385 = tpu.vector_load %parallel_loop3A_382[%parallel_loop3A_383, %parallel_loop3A_384] {strides = array<i32>} : memref<128x128xf32, #tpu.memory_space<vmem>>, vector<1x16xf32>,
        %parallel_loop3A_386 = vector.shape_cast %parallel_loop3A_385 : vector<1x16xf32> to vector<16xf32>
        %parallel_loop3A_387 = arith.constant 11.3137083 : f32
        %parallel_loop3A_388 = vector.broadcast %parallel_loop3A_387 : f32 to vector<16xf32>
        %parallel_loop3A_389 = arith.mulf %parallel_loop3A_386, %parallel_loop3A_388 : vector<16xf32>
        %parallel_loop3A_390 = arith.constant 0 : i32
        %parallel_loop3A_391 = arith.constant 0 : i32
        %parallel_loop3A_392 = tpu.memref_slice %arg6[%parallel_loop3A_214, %parallel_loop3A_390, %parallel_loop3A_391] : memref<5x128x128xf32, #tpu.memory_space<vmem>> -> memref<1x128x128xf32, #tpu.memory_space<vmem>>
        %parallel_loop3A_393 = tpu.memref_squeeze %parallel_loop3A_392 : memref<1x128x128xf32, #tpu.memory_space<vmem>> -> memref<128x128xf32, #tpu.memory_space<vmem>>
        %parallel_loop3A_394 = arith.index_cast %parallel_loop3A_378 : i32 to index
        %parallel_loop3A_395 = arith.constant 0 : index
        %parallel_loop3A_396 = tpu.vector_load %parallel_loop3A_393[%parallel_loop3A_394, %parallel_loop3A_395] {strides = array<i32>} : memref<128x128xf32, #tpu.memory_space<vmem>>, vector<1x16xf32>,
        %parallel_loop3A_397 = vector.shape_cast %parallel_loop3A_396 : vector<1x16xf32> to vector<16xf32>
        %parallel_loop3A_398 = vector.shape_cast %parallel_loop3A_389 : vector<16xf32> to vector<1x16xf32>
        tpu.vector_store %parallel_loop3A_393[%parallel_loop3A_394, %parallel_loop3A_395], %parallel_loop3A_398 {strides = array<i32>} : memref<128x128xf32, #tpu.memory_space<vmem>>, vector<1x16xf32>,
        %parallel_loop3A_399 = arith.constant 0 : i32
        %parallel_loop3A_400 = arith.constant 0 : i32
        %parallel_loop3A_401 = tpu.memref_slice %arg6[%parallel_loop3A_214, %parallel_loop3A_399, %parallel_loop3A_400] : memref<5x128x128xf32, #tpu.memory_space<vmem>> -> memref<1x128x128xf32, #tpu.memory_space<vmem>>
        %parallel_loop3A_402 = tpu.memref_squeeze %parallel_loop3A_401 : memref<1x128x128xf32, #tpu.memory_space<vmem>> -> memref<128x128xf32, #tpu.memory_space<vmem>>
        %parallel_loop3A_403 = arith.index_cast %parallel_loop3A_378 : i32 to index
        %parallel_loop3A_404 = arith.constant 16 : index
        %parallel_loop3A_405 = tpu.vector_load %parallel_loop3A_402[%parallel_loop3A_403, %parallel_loop3A_404] {strides = array<i32>} : memref<128x128xf32, #tpu.memory_space<vmem>>, vector<1x16xf32>,
        %parallel_loop3A_406 = vector.shape_cast %parallel_loop3A_405 : vector<1x16xf32> to vector<16xf32>
        %parallel_loop3A_407 = arith.constant 11.3137083 : f32
        %parallel_loop3A_408 = vector.broadcast %parallel_loop3A_407 : f32 to vector<16xf32>
        %parallel_loop3A_409 = arith.mulf %parallel_loop3A_406, %parallel_loop3A_408 : vector<16xf32>
        %parallel_loop3A_410 = arith.constant 0 : i32
        %parallel_loop3A_411 = arith.constant 0 : i32
        %parallel_loop3A_412 = tpu.memref_slice %arg6[%parallel_loop3A_214, %parallel_loop3A_410, %parallel_loop3A_411] : memref<5x128x128xf32, #tpu.memory_space<vmem>> -> memref<1x128x128xf32, #tpu.memory_space<vmem>>
        %parallel_loop3A_413 = tpu.memref_squeeze %parallel_loop3A_412 : memref<1x128x128xf32, #tpu.memory_space<vmem>> -> memref<128x128xf32, #tpu.memory_space<vmem>>
        %parallel_loop3A_414 = arith.index_cast %parallel_loop3A_378 : i32 to index
        %parallel_loop3A_415 = arith.constant 16 : index
        %parallel_loop3A_416 = tpu.vector_load %parallel_loop3A_413[%parallel_loop3A_414, %parallel_loop3A_415] {strides = array<i32>} : memref<128x128xf32, #tpu.memory_space<vmem>>, vector<1x16xf32>,
        %parallel_loop3A_417 = vector.shape_cast %parallel_loop3A_416 : vector<1x16xf32> to vector<16xf32>
        %parallel_loop3A_418 = vector.shape_cast %parallel_loop3A_409 : vector<16xf32> to vector<1x16xf32>
        tpu.vector_store %parallel_loop3A_413[%parallel_loop3A_414, %parallel_loop3A_415], %parallel_loop3A_418 {strides = array<i32>} : memref<128x128xf32, #tpu.memory_space<vmem>>, vector<1x16xf32>,
        %parallel_loop3A_419 = arith.constant 0 : i32
        %parallel_loop3A_420 = arith.constant 0 : i32
        %parallel_loop3A_421 = tpu.memref_slice %arg6[%parallel_loop3A_214, %parallel_loop3A_419, %parallel_loop3A_420] : memref<5x128x128xf32, #tpu.memory_space<vmem>> -> memref<1x128x128xf32, #tpu.memory_space<vmem>>
        %parallel_loop3A_422 = tpu.memref_squeeze %parallel_loop3A_421 : memref<1x128x128xf32, #tpu.memory_space<vmem>> -> memref<128x128xf32, #tpu.memory_space<vmem>>
        %parallel_loop3A_423 = arith.index_cast %parallel_loop3A_378 : i32 to index
        %parallel_loop3A_424 = arith.constant 32 : index
        %parallel_loop3A_425 = tpu.vector_load %parallel_loop3A_422[%parallel_loop3A_423, %parallel_loop3A_424] {strides = array<i32>} : memref<128x128xf32, #tpu.memory_space<vmem>>, vector<1x16xf32>,
        %parallel_loop3A_426 = vector.shape_cast %parallel_loop3A_425 : vector<1x16xf32> to vector<16xf32>
        %parallel_loop3A_427 = arith.constant 11.3137083 : f32
        %parallel_loop3A_428 = vector.broadcast %parallel_loop3A_427 : f32 to vector<16xf32>
        %parallel_loop3A_429 = arith.mulf %parallel_loop3A_426, %parallel_loop3A_428 : vector<16xf32>
        %parallel_loop3A_430 = arith.constant 0 : i32
        %parallel_loop3A_431 = arith.constant 0 : i32
        %parallel_loop3A_432 = tpu.memref_slice %arg6[%parallel_loop3A_214, %parallel_loop3A_430, %parallel_loop3A_431] : memref<5x128x128xf32, #tpu.memory_space<vmem>> -> memref<1x128x128xf32, #tpu.memory_space<vmem>>
        %parallel_loop3A_433 = tpu.memref_squeeze %parallel_loop3A_432 : memref<1x128x128xf32, #tpu.memory_space<vmem>> -> memref<128x128xf32, #tpu.memory_space<vmem>>
        %parallel_loop3A_434 = arith.index_cast %parallel_loop3A_378 : i32 to index
        %parallel_loop3A_435 = arith.constant 32 : index
        %parallel_loop3A_436 = tpu.vector_load %parallel_loop3A_433[%parallel_loop3A_434, %parallel_loop3A_435] {strides = array<i32>} : memref<128x128xf32, #tpu.memory_space<vmem>>, vector<1x16xf32>,
        %parallel_loop3A_437 = vector.shape_cast %parallel_loop3A_436 : vector<1x16xf32> to vector<16xf32>
        %parallel_loop3A_438 = vector.shape_cast %parallel_loop3A_429 : vector<16xf32> to vector<1x16xf32>
        tpu.vector_store %parallel_loop3A_433[%parallel_loop3A_434, %parallel_loop3A_435], %parallel_loop3A_438 {strides = array<i32>} : memref<128x128xf32, #tpu.memory_space<vmem>>, vector<1x16xf32>,
        %parallel_loop3A_439 = arith.constant 0 : i32
        %parallel_loop3A_440 = arith.constant 0 : i32
        %parallel_loop3A_441 = tpu.memref_slice %arg6[%parallel_loop3A_214, %parallel_loop3A_439, %parallel_loop3A_440] : memref<5x128x128xf32, #tpu.memory_space<vmem>> -> memref<1x128x128xf32, #tpu.memory_space<vmem>>
        %parallel_loop3A_442 = tpu.memref_squeeze %parallel_loop3A_441 : memref<1x128x128xf32, #tpu.memory_space<vmem>> -> memref<128x128xf32, #tpu.memory_space<vmem>>
        %parallel_loop3A_443 = arith.index_cast %parallel_loop3A_378 : i32 to index
        %parallel_loop3A_444 = arith.constant 48 : index
        %parallel_loop3A_445 = tpu.vector_load %parallel_loop3A_442[%parallel_loop3A_443, %parallel_loop3A_444] {strides = array<i32>} : memref<128x128xf32, #tpu.memory_space<vmem>>, vector<1x16xf32>,
        %parallel_loop3A_446 = vector.shape_cast %parallel_loop3A_445 : vector<1x16xf32> to vector<16xf32>
        %parallel_loop3A_447 = arith.constant 11.3137083 : f32
        %parallel_loop3A_448 = vector.broadcast %parallel_loop3A_447 : f32 to vector<16xf32>
        %parallel_loop3A_449 = arith.mulf %parallel_loop3A_446, %parallel_loop3A_448 : vector<16xf32>
        %parallel_loop3A_450 = arith.constant 0 : i32
        %parallel_loop3A_451 = arith.constant 0 : i32
        %parallel_loop3A_452 = tpu.memref_slice %arg6[%parallel_loop3A_214, %parallel_loop3A_450, %parallel_loop3A_451] : memref<5x128x128xf32, #tpu.memory_space<vmem>> -> memref<1x128x128xf32, #tpu.memory_space<vmem>>
        %parallel_loop3A_453 = tpu.memref_squeeze %parallel_loop3A_452 : memref<1x128x128xf32, #tpu.memory_space<vmem>> -> memref<128x128xf32, #tpu.memory_space<vmem>>
        %parallel_loop3A_454 = arith.index_cast %parallel_loop3A_378 : i32 to index
        %parallel_loop3A_455 = arith.constant 48 : index
        %parallel_loop3A_456 = tpu.vector_load %parallel_loop3A_453[%parallel_loop3A_454, %parallel_loop3A_455] {strides = array<i32>} : memref<128x128xf32, #tpu.memory_space<vmem>>, vector<1x16xf32>,
        %parallel_loop3A_457 = vector.shape_cast %parallel_loop3A_456 : vector<1x16xf32> to vector<16xf32>
        %parallel_loop3A_458 = vector.shape_cast %parallel_loop3A_449 : vector<16xf32> to vector<1x16xf32>
        tpu.vector_store %parallel_loop3A_453[%parallel_loop3A_454, %parallel_loop3A_455], %parallel_loop3A_458 {strides = array<i32>} : memref<128x128xf32, #tpu.memory_space<vmem>>, vector<1x16xf32>,
        %parallel_loop3A_459 = arith.constant 0 : i32
        %parallel_loop3A_460 = arith.constant 0 : i32
        %parallel_loop3A_461 = tpu.memref_slice %arg6[%parallel_loop3A_214, %parallel_loop3A_459, %parallel_loop3A_460] : memref<5x128x128xf32, #tpu.memory_space<vmem>> -> memref<1x128x128xf32, #tpu.memory_space<vmem>>
        %parallel_loop3A_462 = tpu.memref_squeeze %parallel_loop3A_461 : memref<1x128x128xf32, #tpu.memory_space<vmem>> -> memref<128x128xf32, #tpu.memory_space<vmem>>
        %parallel_loop3A_463 = arith.index_cast %parallel_loop3A_378 : i32 to index
        %parallel_loop3A_464 = arith.constant 64 : index
        %parallel_loop3A_465 = tpu.vector_load %parallel_loop3A_462[%parallel_loop3A_463, %parallel_loop3A_464] {strides = array<i32>} : memref<128x128xf32, #tpu.memory_space<vmem>>, vector<1x16xf32>,
        %parallel_loop3A_466 = vector.shape_cast %parallel_loop3A_465 : vector<1x16xf32> to vector<16xf32>
        %parallel_loop3A_467 = arith.constant 11.3137083 : f32
        %parallel_loop3A_468 = vector.broadcast %parallel_loop3A_467 : f32 to vector<16xf32>
        %parallel_loop3A_469 = arith.mulf %parallel_loop3A_466, %parallel_loop3A_468 : vector<16xf32>
        %parallel_loop3A_470 = arith.constant 0 : i32
        %parallel_loop3A_471 = arith.constant 0 : i32
        %parallel_loop3A_472 = tpu.memref_slice %arg6[%parallel_loop3A_214, %parallel_loop3A_470, %parallel_loop3A_471] : memref<5x128x128xf32, #tpu.memory_space<vmem>> -> memref<1x128x128xf32, #tpu.memory_space<vmem>>
        %parallel_loop3A_473 = tpu.memref_squeeze %parallel_loop3A_472 : memref<1x128x128xf32, #tpu.memory_space<vmem>> -> memref<128x128xf32, #tpu.memory_space<vmem>>
        %parallel_loop3A_474 = arith.index_cast %parallel_loop3A_378 : i32 to index
        %parallel_loop3A_475 = arith.constant 64 : index
        %parallel_loop3A_476 = tpu.vector_load %parallel_loop3A_473[%parallel_loop3A_474, %parallel_loop3A_475] {strides = array<i32>} : memref<128x128xf32, #tpu.memory_space<vmem>>, vector<1x16xf32>,
        %parallel_loop3A_477 = vector.shape_cast %parallel_loop3A_476 : vector<1x16xf32> to vector<16xf32>
        %parallel_loop3A_478 = vector.shape_cast %parallel_loop3A_469 : vector<16xf32> to vector<1x16xf32>
        tpu.vector_store %parallel_loop3A_473[%parallel_loop3A_474, %parallel_loop3A_475], %parallel_loop3A_478 {strides = array<i32>} : memref<128x128xf32, #tpu.memory_space<vmem>>, vector<1x16xf32>,
        %parallel_loop3A_479 = arith.constant 0 : i32
        %parallel_loop3A_480 = arith.constant 0 : i32
        %parallel_loop3A_481 = tpu.memref_slice %arg6[%parallel_loop3A_214, %parallel_loop3A_479, %parallel_loop3A_480] : memref<5x128x128xf32, #tpu.memory_space<vmem>> -> memref<1x128x128xf32, #tpu.memory_space<vmem>>
        %parallel_loop3A_482 = tpu.memref_squeeze %parallel_loop3A_481 : memref<1x128x128xf32, #tpu.memory_space<vmem>> -> memref<128x128xf32, #tpu.memory_space<vmem>>
        %parallel_loop3A_483 = arith.index_cast %parallel_loop3A_378 : i32 to index
        %parallel_loop3A_484 = arith.constant 80 : index
        %parallel_loop3A_485 = tpu.vector_load %parallel_loop3A_482[%parallel_loop3A_483, %parallel_loop3A_484] {strides = array<i32>} : memref<128x128xf32, #tpu.memory_space<vmem>>, vector<1x16xf32>,
        %parallel_loop3A_486 = vector.shape_cast %parallel_loop3A_485 : vector<1x16xf32> to vector<16xf32>
        %parallel_loop3A_487 = arith.constant 11.3137083 : f32
        %parallel_loop3A_488 = vector.broadcast %parallel_loop3A_487 : f32 to vector<16xf32>
        %parallel_loop3A_489 = arith.mulf %parallel_loop3A_486, %parallel_loop3A_488 : vector<16xf32>
        %parallel_loop3A_490 = arith.constant 0 : i32
        %parallel_loop3A_491 = arith.constant 0 : i32
        %parallel_loop3A_492 = tpu.memref_slice %arg6[%parallel_loop3A_214, %parallel_loop3A_490, %parallel_loop3A_491] : memref<5x128x128xf32, #tpu.memory_space<vmem>> -> memref<1x128x128xf32, #tpu.memory_space<vmem>>
        %parallel_loop3A_493 = tpu.memref_squeeze %parallel_loop3A_492 : memref<1x128x128xf32, #tpu.memory_space<vmem>> -> memref<128x128xf32, #tpu.memory_space<vmem>>
        %parallel_loop3A_494 = arith.index_cast %parallel_loop3A_378 : i32 to index
        %parallel_loop3A_495 = arith.constant 80 : index
        %parallel_loop3A_496 = tpu.vector_load %parallel_loop3A_493[%parallel_loop3A_494, %parallel_loop3A_495] {strides = array<i32>} : memref<128x128xf32, #tpu.memory_space<vmem>>, vector<1x16xf32>,
        %parallel_loop3A_497 = vector.shape_cast %parallel_loop3A_496 : vector<1x16xf32> to vector<16xf32>
        %parallel_loop3A_498 = vector.shape_cast %parallel_loop3A_489 : vector<16xf32> to vector<1x16xf32>
        tpu.vector_store %parallel_loop3A_493[%parallel_loop3A_494, %parallel_loop3A_495], %parallel_loop3A_498 {strides = array<i32>} : memref<128x128xf32, #tpu.memory_space<vmem>>, vector<1x16xf32>,
        %parallel_loop3A_499 = arith.constant 0 : i32
        %parallel_loop3A_500 = arith.constant 0 : i32
        %parallel_loop3A_501 = tpu.memref_slice %arg6[%parallel_loop3A_214, %parallel_loop3A_499, %parallel_loop3A_500] : memref<5x128x128xf32, #tpu.memory_space<vmem>> -> memref<1x128x128xf32, #tpu.memory_space<vmem>>
        %parallel_loop3A_502 = tpu.memref_squeeze %parallel_loop3A_501 : memref<1x128x128xf32, #tpu.memory_space<vmem>> -> memref<128x128xf32, #tpu.memory_space<vmem>>
        %parallel_loop3A_503 = arith.index_cast %parallel_loop3A_378 : i32 to index
        %parallel_loop3A_504 = arith.constant 96 : index
        %parallel_loop3A_505 = tpu.vector_load %parallel_loop3A_502[%parallel_loop3A_503, %parallel_loop3A_504] {strides = array<i32>} : memref<128x128xf32, #tpu.memory_space<vmem>>, vector<1x16xf32>,
        %parallel_loop3A_506 = vector.shape_cast %parallel_loop3A_505 : vector<1x16xf32> to vector<16xf32>
        %parallel_loop3A_507 = arith.constant 11.3137083 : f32
        %parallel_loop3A_508 = vector.broadcast %parallel_loop3A_507 : f32 to vector<16xf32>
        %parallel_loop3A_509 = arith.mulf %parallel_loop3A_506, %parallel_loop3A_508 : vector<16xf32>
        %parallel_loop3A_510 = arith.constant 0 : i32
        %parallel_loop3A_511 = arith.constant 0 : i32
        %parallel_loop3A_512 = tpu.memref_slice %arg6[%parallel_loop3A_214, %parallel_loop3A_510, %parallel_loop3A_511] : memref<5x128x128xf32, #tpu.memory_space<vmem>> -> memref<1x128x128xf32, #tpu.memory_space<vmem>>
        %parallel_loop3A_513 = tpu.memref_squeeze %parallel_loop3A_512 : memref<1x128x128xf32, #tpu.memory_space<vmem>> -> memref<128x128xf32, #tpu.memory_space<vmem>>
        %parallel_loop3A_514 = arith.index_cast %parallel_loop3A_378 : i32 to index
        %parallel_loop3A_515 = arith.constant 96 : index
        %parallel_loop3A_516 = tpu.vector_load %parallel_loop3A_513[%parallel_loop3A_514, %parallel_loop3A_515] {strides = array<i32>} : memref<128x128xf32, #tpu.memory_space<vmem>>, vector<1x16xf32>,
        %parallel_loop3A_517 = vector.shape_cast %parallel_loop3A_516 : vector<1x16xf32> to vector<16xf32>
        %parallel_loop3A_518 = vector.shape_cast %parallel_loop3A_509 : vector<16xf32> to vector<1x16xf32>
        tpu.vector_store %parallel_loop3A_513[%parallel_loop3A_514, %parallel_loop3A_515], %parallel_loop3A_518 {strides = array<i32>} : memref<128x128xf32, #tpu.memory_space<vmem>>, vector<1x16xf32>,
        %parallel_loop3A_519 = arith.constant 0 : i32
        %parallel_loop3A_520 = arith.constant 0 : i32
        %parallel_loop3A_521 = tpu.memref_slice %arg6[%parallel_loop3A_214, %parallel_loop3A_519, %parallel_loop3A_520] : memref<5x128x128xf32, #tpu.memory_space<vmem>> -> memref<1x128x128xf32, #tpu.memory_space<vmem>>
        %parallel_loop3A_522 = tpu.memref_squeeze %parallel_loop3A_521 : memref<1x128x128xf32, #tpu.memory_space<vmem>> -> memref<128x128xf32, #tpu.memory_space<vmem>>
        %parallel_loop3A_523 = arith.index_cast %parallel_loop3A_378 : i32 to index
        %parallel_loop3A_524 = arith.constant 112 : index
        %parallel_loop3A_525 = tpu.vector_load %parallel_loop3A_522[%parallel_loop3A_523, %parallel_loop3A_524] {strides = array<i32>} : memref<128x128xf32, #tpu.memory_space<vmem>>, vector<1x16xf32>,
        %parallel_loop3A_526 = vector.shape_cast %parallel_loop3A_525 : vector<1x16xf32> to vector<16xf32>
        %parallel_loop3A_527 = arith.constant 11.3137083 : f32
        %parallel_loop3A_528 = vector.broadcast %parallel_loop3A_527 : f32 to vector<16xf32>
        %parallel_loop3A_529 = arith.mulf %parallel_loop3A_526, %parallel_loop3A_528 : vector<16xf32>
        %parallel_loop3A_530 = arith.constant 0 : i32
        %parallel_loop3A_531 = arith.constant 0 : i32
        %parallel_loop3A_532 = tpu.memref_slice %arg6[%parallel_loop3A_214, %parallel_loop3A_530, %parallel_loop3A_531] : memref<5x128x128xf32, #tpu.memory_space<vmem>> -> memref<1x128x128xf32, #tpu.memory_space<vmem>>
        %parallel_loop3A_533 = tpu.memref_squeeze %parallel_loop3A_532 : memref<1x128x128xf32, #tpu.memory_space<vmem>> -> memref<128x128xf32, #tpu.memory_space<vmem>>
        %parallel_loop3A_534 = arith.index_cast %parallel_loop3A_378 : i32 to index
        %parallel_loop3A_535 = arith.constant 112 : index
        %parallel_loop3A_536 = tpu.vector_load %parallel_loop3A_533[%parallel_loop3A_534, %parallel_loop3A_535] {strides = array<i32>} : memref<128x128xf32, #tpu.memory_space<vmem>>, vector<1x16xf32>,
        %parallel_loop3A_537 = vector.shape_cast %parallel_loop3A_536 : vector<1x16xf32> to vector<16xf32>
        %parallel_loop3A_538 = vector.shape_cast %parallel_loop3A_529 : vector<16xf32> to vector<1x16xf32>
        tpu.vector_store %parallel_loop3A_533[%parallel_loop3A_534, %parallel_loop3A_535], %parallel_loop3A_538 {strides = array<i32>} : memref<128x128xf32, #tpu.memory_space<vmem>>, vector<1x16xf32>,
      } {sc.loop_unroll_factor = 2 : i64, sc.parallel_access}
      %mul3A_215 = arith.constant 128 : i32
      %mul3A_216 = arith.muli %add3A_189, %mul3A_215 : i32
      %add3A_217 = arith.addi %mul3A_2, %mul3A_216 : i32
      %dma_start3A_218 = arith.constant 1 : i32
      %dma_start3A_219 = arith.constant 1 : i32
      %dma_start3A_220 = arith.constant 0 : i32
      %dma_start3A_221 = arith.constant 0 : i32
      %dma_start3A_222 = tpu.memref_slice %arg6[%dma_start3A_218, %dma_start3A_220, %dma_start3A_221] : memref<5x128x128xf32, #tpu.memory_space<vmem>> -> memref<1x128x128xf32, #tpu.memory_space<vmem>>
      %dma_start3A_223 = tpu.memref_squeeze %dma_start3A_222 : memref<1x128x128xf32, #tpu.memory_space<vmem>> -> memref<128x128xf32, #tpu.memory_space<vmem>>
      %dma_start3A_224 = arith.constant 0 : i32
      %dma_start3A_225 = tpu.memref_slice %arg4[%add3A_217, %dma_start3A_224] : memref<819200x128xf32, #tpu.memory_space<hbm>> -> memref<128x128xf32, #tpu.memory_space<hbm>>
      %dma_start3A_226 = tpu.memref_slice %arg8[%dma_start3A_219] : memref<5x!tpu.dma_semaphore, #tpu.memory_space<semaphore_mem>> -> memref<1x!tpu.dma_semaphore, #tpu.memory_space<semaphore_mem>>
      %dma_start3A_227 = tpu.memref_squeeze %dma_start3A_226 : memref<1x!tpu.dma_semaphore, #tpu.memory_space<semaphore_mem>> -> memref<!tpu.dma_semaphore, #tpu.memory_space<semaphore_mem>>
      %dma_start3A_228 = arith.constant 0 : i32
      %dma_start3A_229 = tpu.memref_slice %arg4[%add3A_217, %dma_start3A_228] : memref<819200x128xf32, #tpu.memory_space<hbm>> -> memref<128x128xf32, #tpu.memory_space<hbm>>
      %dma_start3A_230 = arith.constant 0 : i32
      %dma_start3A_231 = arith.constant 0 : i32
      %dma_start3A_232 = tpu.memref_slice %arg6[%dma_start3A_218, %dma_start3A_230, %dma_start3A_231] : memref<5x128x128xf32, #tpu.memory_space<vmem>> -> memref<1x128x128xf32, #tpu.memory_space<vmem>>
      %dma_start3A_233 = tpu.memref_squeeze %dma_start3A_232 : memref<1x128x128xf32, #tpu.memory_space<vmem>> -> memref<128x128xf32, #tpu.memory_space<vmem>>
      tpu.enqueue_dma source(%dma_start3A_233 : memref<128x128xf32, #tpu.memory_space<vmem>>) target(%dma_start3A_229 : memref<128x128xf32, #tpu.memory_space<hbm>>) target_semaphore(%dma_start3A_227 : memref<!tpu.dma_semaphore, #tpu.memory_space<semaphore_mem>>)
      %mul3A_234 = arith.constant 5 : i32
      %mul3A_235 = arith.muli %scan3A_141, %mul3A_234 : i32
      %add3A_236 = arith.constant 2 : i32
      %add3A_237 = arith.addi %mul3A_235, %add3A_236 : i32
      %add3A_238 = arith.constant 3 : i32
      %add3A_239 = arith.addi %add3A_237, %add3A_238 : i32
      %lt3A_240 = arith.constant 200 : i32
      %lt3A_241 = arith.cmpi slt, %add3A_239, %lt3A_240 : i32
      %convert_element_type3A_242 = arith.extui %lt3A_241 : i1 to i32
      %cond3A_243 = arith.constant 0 : i32
      %cond3A_244 = arith.cmpi ne, %convert_element_type3A_242, %cond3A_243 : i32
      scf.if %cond3A_244 {
        %ge3A = arith.constant 5 : i32
        %ge3A_378 = arith.cmpi sge, %add3A_239, %ge3A : i32
        %convert_element_type3A_379 = arith.extui %ge3A_378 : i1 to i32
        %cond3A_380 = arith.constant 0 : i32
        %cond3A_381 = arith.cmpi ne, %convert_element_type3A_379, %cond3A_380 : i32
        scf.if %cond3A_381 {
          %dma_wait3A_396 = arith.constant 0 : i32
          %dma_wait3A_397 = arith.constant 0 : i32
          %dma_wait3A_398 = arith.constant 0 : i32
          %dma_wait3A_399 = arith.constant 0 : i32
          %dma_wait3A_400 = tpu.memref_slice %arg6[%dma_wait3A_396, %dma_wait3A_398, %dma_wait3A_399] : memref<5x128x128xf32, #tpu.memory_space<vmem>> -> memref<1x128x128xf32, #tpu.memory_space<vmem>>
          %dma_wait3A_401 = tpu.memref_squeeze %dma_wait3A_400 : memref<1x128x128xf32, #tpu.memory_space<vmem>> -> memref<128x128xf32, #tpu.memory_space<vmem>>
          %dma_wait3A_402 = arith.constant 0 : i32
          %dma_wait3A_403 = arith.constant 0 : i32
          %dma_wait3A_404 = tpu.memref_slice %arg4[%dma_wait3A_402, %dma_wait3A_403] : memref<819200x128xf32, #tpu.memory_space<hbm>> -> memref<128x128xf32, #tpu.memory_space<hbm>>
          %dma_wait3A_405 = tpu.memref_slice %arg8[%dma_wait3A_397] : memref<5x!tpu.dma_semaphore, #tpu.memory_space<semaphore_mem>> -> memref<1x!tpu.dma_semaphore, #tpu.memory_space<semaphore_mem>>
          %dma_wait3A_406 = tpu.memref_squeeze %dma_wait3A_405 : memref<1x!tpu.dma_semaphore, #tpu.memory_space<semaphore_mem>> -> memref<!tpu.dma_semaphore, #tpu.memory_space<semaphore_mem>>
          %dma_wait3A_407 = arith.constant 0 : i32
          %dma_wait3A_408 = arith.constant 0 : i32
          %dma_wait3A_409 = tpu.memref_slice %arg4[%dma_wait3A_407, %dma_wait3A_408] : memref<819200x128xf32, #tpu.memory_space<hbm>> -> memref<128x128xf32, #tpu.memory_space<hbm>>
          %dma_wait3A_410 = arith.constant 0 : i32
          %dma_wait3A_411 = arith.constant 0 : i32
          %dma_wait3A_412 = tpu.memref_slice %arg6[%dma_wait3A_396, %dma_wait3A_410, %dma_wait3A_411] : memref<5x128x128xf32, #tpu.memory_space<vmem>> -> memref<1x128x128xf32, #tpu.memory_space<vmem>>
          %dma_wait3A_413 = tpu.memref_squeeze %dma_wait3A_412 : memref<1x128x128xf32, #tpu.memory_space<vmem>> -> memref<128x128xf32, #tpu.memory_space<vmem>>
          tpu.wait_dma2 semaphore(%dma_wait3A_406 : memref<!tpu.dma_semaphore, #tpu.memory_space<semaphore_mem>>) src(%dma_wait3A_413 : memref<128x128xf32, #tpu.memory_space<vmem>>) dst(%dma_wait3A_409 : memref<128x128xf32, #tpu.memory_space<hbm>>)
        } else {
        }
        %dma_start3A_382 = arith.constant 0 : i32
        %dma_start3A_383 = arith.constant 0 : i32
        %dma_start3A_384 = arith.constant 0 : i32
        %dma_start3A_385 = arith.constant 0 : i32
        %dma_start3A_386 = tpu.memref_slice %arg6[%dma_start3A_382, %dma_start3A_384, %dma_start3A_385] : memref<5x128x128xf32, #tpu.memory_space<vmem>> -> memref<1x128x128xf32, #tpu.memory_space<vmem>>
        %dma_start3A_387 = tpu.memref_squeeze %dma_start3A_386 : memref<1x128x128xf32, #tpu.memory_space<vmem>> -> memref<128x128xf32, #tpu.memory_space<vmem>>
        %dma_start3A_388 = arith.constant 0 : i32
        %dma_start3A_389 = tpu.memref_slice %arg5[%add3A_239, %dma_start3A_388] : memref<200x128xi32, #tpu.memory_space<vmem>> -> memref<1x128xi32, #tpu.memory_space<vmem>>
        %dma_start3A_390 = tpu.memref_squeeze %dma_start3A_389 : memref<1x128xi32, #tpu.memory_space<vmem>> -> memref<128xi32, #tpu.memory_space<vmem>>
        %dma_start3A_391 = arith.constant 0 : i32
        %dma_start3A_392 = arith.constant 0 : i32
        %dma_start3A_393 = tpu.memref_slice %arg3[%dma_start3A_391, %dma_start3A_392] : memref<1000000x128xf32, #tpu.memory_space<hbm>> -> memref<1000000x128xf32, #tpu.memory_space<hbm>>
        %dma_start3A_394 = tpu.memref_slice %arg7[%dma_start3A_383] : memref<5x!tpu.dma_semaphore, #tpu.memory_space<semaphore_mem>> -> memref<1x!tpu.dma_semaphore, #tpu.memory_space<semaphore_mem>>
        %dma_start3A_395 = tpu.memref_squeeze %dma_start3A_394 : memref<1x!tpu.dma_semaphore, #tpu.memory_space<semaphore_mem>> -> memref<!tpu.dma_semaphore, #tpu.memory_space<semaphore_mem>>
        tpu.enqueue_indirect_dma source(%dma_start3A_393 : memref<1000000x128xf32, #tpu.memory_space<hbm>>) target(%dma_start3A_387 : memref<128x128xf32, #tpu.memory_space<vmem>>) offsets(%dma_start3A_390 : memref<128xi32, #tpu.memory_space<vmem>>) semaphore(%dma_start3A_395 : memref<!tpu.dma_semaphore, #tpu.memory_space<semaphore_mem>>)
      } else {
      }
      %dma_wait3A_245 = arith.constant 2 : i32
      %dma_wait3A_246 = arith.constant 2 : i32
      %dma_wait3A_247 = arith.constant 0 : i32
      %dma_wait3A_248 = arith.constant 0 : i32
      %dma_wait3A_249 = tpu.memref_slice %arg6[%dma_wait3A_245, %dma_wait3A_247, %dma_wait3A_248] : memref<5x128x128xf32, #tpu.memory_space<vmem>> -> memref<1x128x128xf32, #tpu.memory_space<vmem>>
      %dma_wait3A_250 = tpu.memref_squeeze %dma_wait3A_249 : memref<1x128x128xf32, #tpu.memory_space<vmem>> -> memref<128x128xf32, #tpu.memory_space<vmem>>
      %dma_wait3A_251 = arith.constant 0 : i32
      %dma_wait3A_252 = tpu.memref_slice %arg5[%add3A_237, %dma_wait3A_251] : memref<200x128xi32, #tpu.memory_space<vmem>> -> memref<1x128xi32, #tpu.memory_space<vmem>>
      %dma_wait3A_253 = tpu.memref_squeeze %dma_wait3A_252 : memref<1x128xi32, #tpu.memory_space<vmem>> -> memref<128xi32, #tpu.memory_space<vmem>>
      %dma_wait3A_254 = arith.constant 0 : i32
      %dma_wait3A_255 = arith.constant 0 : i32
      %dma_wait3A_256 = tpu.memref_slice %arg3[%dma_wait3A_254, %dma_wait3A_255] : memref<1000000x128xf32, #tpu.memory_space<hbm>> -> memref<1000000x128xf32, #tpu.memory_space<hbm>>
      %dma_wait3A_257 = tpu.memref_slice %arg7[%dma_wait3A_246] : memref<5x!tpu.dma_semaphore, #tpu.memory_space<semaphore_mem>> -> memref<1x!tpu.dma_semaphore, #tpu.memory_space<semaphore_mem>>
      %dma_wait3A_258 = tpu.memref_squeeze %dma_wait3A_257 : memref<1x!tpu.dma_semaphore, #tpu.memory_space<semaphore_mem>> -> memref<!tpu.dma_semaphore, #tpu.memory_space<semaphore_mem>>
      tpu.wait_indirect_dma semaphore(%dma_wait3A_258 : memref<!tpu.dma_semaphore, #tpu.memory_space<semaphore_mem>>) src(%dma_wait3A_256 : memref<1000000x128xf32, #tpu.memory_space<hbm>>) dst(%dma_wait3A_250 : memref<128x128xf32, #tpu.memory_space<vmem>>)
      %parallel_loop3A_259 = arith.constant 0 : i32
      %parallel_loop3A_260 = arith.constant 128 : i32
      %parallel_loop3A_261 = arith.constant 1 : i32
      %parallel_loop3A_262 = arith.constant 2 : i32
      scf.for %parallel_loop3A_378 = %parallel_loop3A_259 to %parallel_loop3A_260 step %parallel_loop3A_261  : i32 {
        %parallel_loop3A_379 = arith.constant 0 : i32
        %parallel_loop3A_380 = arith.constant 0 : i32
        %parallel_loop3A_381 = tpu.memref_slice %arg6[%parallel_loop3A_262, %parallel_loop3A_379, %parallel_loop3A_380] : memref<5x128x128xf32, #tpu.memory_space<vmem>> -> memref<1x128x128xf32, #tpu.memory_space<vmem>>
        %parallel_loop3A_382 = tpu.memref_squeeze %parallel_loop3A_381 : memref<1x128x128xf32, #tpu.memory_space<vmem>> -> memref<128x128xf32, #tpu.memory_space<vmem>>
        %parallel_loop3A_383 = arith.index_cast %parallel_loop3A_378 : i32 to index
        %parallel_loop3A_384 = arith.constant 0 : index
        %parallel_loop3A_385 = tpu.vector_load %parallel_loop3A_382[%parallel_loop3A_383, %parallel_loop3A_384] {strides = array<i32>} : memref<128x128xf32, #tpu.memory_space<vmem>>, vector<1x16xf32>,
        %parallel_loop3A_386 = vector.shape_cast %parallel_loop3A_385 : vector<1x16xf32> to vector<16xf32>
        %parallel_loop3A_387 = arith.constant 11.3137083 : f32
        %parallel_loop3A_388 = vector.broadcast %parallel_loop3A_387 : f32 to vector<16xf32>
        %parallel_loop3A_389 = arith.mulf %parallel_loop3A_386, %parallel_loop3A_388 : vector<16xf32>
        %parallel_loop3A_390 = arith.constant 0 : i32
        %parallel_loop3A_391 = arith.constant 0 : i32
        %parallel_loop3A_392 = tpu.memref_slice %arg6[%parallel_loop3A_262, %parallel_loop3A_390, %parallel_loop3A_391] : memref<5x128x128xf32, #tpu.memory_space<vmem>> -> memref<1x128x128xf32, #tpu.memory_space<vmem>>
        %parallel_loop3A_393 = tpu.memref_squeeze %parallel_loop3A_392 : memref<1x128x128xf32, #tpu.memory_space<vmem>> -> memref<128x128xf32, #tpu.memory_space<vmem>>
        %parallel_loop3A_394 = arith.index_cast %parallel_loop3A_378 : i32 to index
        %parallel_loop3A_395 = arith.constant 0 : index
        %parallel_loop3A_396 = tpu.vector_load %parallel_loop3A_393[%parallel_loop3A_394, %parallel_loop3A_395] {strides = array<i32>} : memref<128x128xf32, #tpu.memory_space<vmem>>, vector<1x16xf32>,
        %parallel_loop3A_397 = vector.shape_cast %parallel_loop3A_396 : vector<1x16xf32> to vector<16xf32>
        %parallel_loop3A_398 = vector.shape_cast %parallel_loop3A_389 : vector<16xf32> to vector<1x16xf32>
        tpu.vector_store %parallel_loop3A_393[%parallel_loop3A_394, %parallel_loop3A_395], %parallel_loop3A_398 {strides = array<i32>} : memref<128x128xf32, #tpu.memory_space<vmem>>, vector<1x16xf32>,
        %parallel_loop3A_399 = arith.constant 0 : i32
        %parallel_loop3A_400 = arith.constant 0 : i32
        %parallel_loop3A_401 = tpu.memref_slice %arg6[%parallel_loop3A_262, %parallel_loop3A_399, %parallel_loop3A_400] : memref<5x128x128xf32, #tpu.memory_space<vmem>> -> memref<1x128x128xf32, #tpu.memory_space<vmem>>
        %parallel_loop3A_402 = tpu.memref_squeeze %parallel_loop3A_401 : memref<1x128x128xf32, #tpu.memory_space<vmem>> -> memref<128x128xf32, #tpu.memory_space<vmem>>
        %parallel_loop3A_403 = arith.index_cast %parallel_loop3A_378 : i32 to index
        %parallel_loop3A_404 = arith.constant 16 : index
        %parallel_loop3A_405 = tpu.vector_load %parallel_loop3A_402[%parallel_loop3A_403, %parallel_loop3A_404] {strides = array<i32>} : memref<128x128xf32, #tpu.memory_space<vmem>>, vector<1x16xf32>,
        %parallel_loop3A_406 = vector.shape_cast %parallel_loop3A_405 : vector<1x16xf32> to vector<16xf32>
        %parallel_loop3A_407 = arith.constant 11.3137083 : f32
        %parallel_loop3A_408 = vector.broadcast %parallel_loop3A_407 : f32 to vector<16xf32>
        %parallel_loop3A_409 = arith.mulf %parallel_loop3A_406, %parallel_loop3A_408 : vector<16xf32>
        %parallel_loop3A_410 = arith.constant 0 : i32
        %parallel_loop3A_411 = arith.constant 0 : i32
        %parallel_loop3A_412 = tpu.memref_slice %arg6[%parallel_loop3A_262, %parallel_loop3A_410, %parallel_loop3A_411] : memref<5x128x128xf32, #tpu.memory_space<vmem>> -> memref<1x128x128xf32, #tpu.memory_space<vmem>>
        %parallel_loop3A_413 = tpu.memref_squeeze %parallel_loop3A_412 : memref<1x128x128xf32, #tpu.memory_space<vmem>> -> memref<128x128xf32, #tpu.memory_space<vmem>>
        %parallel_loop3A_414 = arith.index_cast %parallel_loop3A_378 : i32 to index
        %parallel_loop3A_415 = arith.constant 16 : index
        %parallel_loop3A_416 = tpu.vector_load %parallel_loop3A_413[%parallel_loop3A_414, %parallel_loop3A_415] {strides = array<i32>} : memref<128x128xf32, #tpu.memory_space<vmem>>, vector<1x16xf32>,
        %parallel_loop3A_417 = vector.shape_cast %parallel_loop3A_416 : vector<1x16xf32> to vector<16xf32>
        %parallel_loop3A_418 = vector.shape_cast %parallel_loop3A_409 : vector<16xf32> to vector<1x16xf32>
        tpu.vector_store %parallel_loop3A_413[%parallel_loop3A_414, %parallel_loop3A_415], %parallel_loop3A_418 {strides = array<i32>} : memref<128x128xf32, #tpu.memory_space<vmem>>, vector<1x16xf32>,
        %parallel_loop3A_419 = arith.constant 0 : i32
        %parallel_loop3A_420 = arith.constant 0 : i32
        %parallel_loop3A_421 = tpu.memref_slice %arg6[%parallel_loop3A_262, %parallel_loop3A_419, %parallel_loop3A_420] : memref<5x128x128xf32, #tpu.memory_space<vmem>> -> memref<1x128x128xf32, #tpu.memory_space<vmem>>
        %parallel_loop3A_422 = tpu.memref_squeeze %parallel_loop3A_421 : memref<1x128x128xf32, #tpu.memory_space<vmem>> -> memref<128x128xf32, #tpu.memory_space<vmem>>
        %parallel_loop3A_423 = arith.index_cast %parallel_loop3A_378 : i32 to index
        %parallel_loop3A_424 = arith.constant 32 : index
        %parallel_loop3A_425 = tpu.vector_load %parallel_loop3A_422[%parallel_loop3A_423, %parallel_loop3A_424] {strides = array<i32>} : memref<128x128xf32, #tpu.memory_space<vmem>>, vector<1x16xf32>,
        %parallel_loop3A_426 = vector.shape_cast %parallel_loop3A_425 : vector<1x16xf32> to vector<16xf32>
        %parallel_loop3A_427 = arith.constant 11.3137083 : f32
        %parallel_loop3A_428 = vector.broadcast %parallel_loop3A_427 : f32 to vector<16xf32>
        %parallel_loop3A_429 = arith.mulf %parallel_loop3A_426, %parallel_loop3A_428 : vector<16xf32>
        %parallel_loop3A_430 = arith.constant 0 : i32
        %parallel_loop3A_431 = arith.constant 0 : i32
        %parallel_loop3A_432 = tpu.memref_slice %arg6[%parallel_loop3A_262, %parallel_loop3A_430, %parallel_loop3A_431] : memref<5x128x128xf32, #tpu.memory_space<vmem>> -> memref<1x128x128xf32, #tpu.memory_space<vmem>>
        %parallel_loop3A_433 = tpu.memref_squeeze %parallel_loop3A_432 : memref<1x128x128xf32, #tpu.memory_space<vmem>> -> memref<128x128xf32, #tpu.memory_space<vmem>>
        %parallel_loop3A_434 = arith.index_cast %parallel_loop3A_378 : i32 to index
        %parallel_loop3A_435 = arith.constant 32 : index
        %parallel_loop3A_436 = tpu.vector_load %parallel_loop3A_433[%parallel_loop3A_434, %parallel_loop3A_435] {strides = array<i32>} : memref<128x128xf32, #tpu.memory_space<vmem>>, vector<1x16xf32>,
        %parallel_loop3A_437 = vector.shape_cast %parallel_loop3A_436 : vector<1x16xf32> to vector<16xf32>
        %parallel_loop3A_438 = vector.shape_cast %parallel_loop3A_429 : vector<16xf32> to vector<1x16xf32>
        tpu.vector_store %parallel_loop3A_433[%parallel_loop3A_434, %parallel_loop3A_435], %parallel_loop3A_438 {strides = array<i32>} : memref<128x128xf32, #tpu.memory_space<vmem>>, vector<1x16xf32>,
        %parallel_loop3A_439 = arith.constant 0 : i32
        %parallel_loop3A_440 = arith.constant 0 : i32
        %parallel_loop3A_441 = tpu.memref_slice %arg6[%parallel_loop3A_262, %parallel_loop3A_439, %parallel_loop3A_440] : memref<5x128x128xf32, #tpu.memory_space<vmem>> -> memref<1x128x128xf32, #tpu.memory_space<vmem>>
        %parallel_loop3A_442 = tpu.memref_squeeze %parallel_loop3A_441 : memref<1x128x128xf32, #tpu.memory_space<vmem>> -> memref<128x128xf32, #tpu.memory_space<vmem>>
        %parallel_loop3A_443 = arith.index_cast %parallel_loop3A_378 : i32 to index
        %parallel_loop3A_444 = arith.constant 48 : index
        %parallel_loop3A_445 = tpu.vector_load %parallel_loop3A_442[%parallel_loop3A_443, %parallel_loop3A_444] {strides = array<i32>} : memref<128x128xf32, #tpu.memory_space<vmem>>, vector<1x16xf32>,
        %parallel_loop3A_446 = vector.shape_cast %parallel_loop3A_445 : vector<1x16xf32> to vector<16xf32>
        %parallel_loop3A_447 = arith.constant 11.3137083 : f32
        %parallel_loop3A_448 = vector.broadcast %parallel_loop3A_447 : f32 to vector<16xf32>
        %parallel_loop3A_449 = arith.mulf %parallel_loop3A_446, %parallel_loop3A_448 : vector<16xf32>
        %parallel_loop3A_450 = arith.constant 0 : i32
        %parallel_loop3A_451 = arith.constant 0 : i32
        %parallel_loop3A_452 = tpu.memref_slice %arg6[%parallel_loop3A_262, %parallel_loop3A_450, %parallel_loop3A_451] : memref<5x128x128xf32, #tpu.memory_space<vmem>> -> memref<1x128x128xf32, #tpu.memory_space<vmem>>
        %parallel_loop3A_453 = tpu.memref_squeeze %parallel_loop3A_452 : memref<1x128x128xf32, #tpu.memory_space<vmem>> -> memref<128x128xf32, #tpu.memory_space<vmem>>
        %parallel_loop3A_454 = arith.index_cast %parallel_loop3A_378 : i32 to index
        %parallel_loop3A_455 = arith.constant 48 : index
        %parallel_loop3A_456 = tpu.vector_load %parallel_loop3A_453[%parallel_loop3A_454, %parallel_loop3A_455] {strides = array<i32>} : memref<128x128xf32, #tpu.memory_space<vmem>>, vector<1x16xf32>,
        %parallel_loop3A_457 = vector.shape_cast %parallel_loop3A_456 : vector<1x16xf32> to vector<16xf32>
        %parallel_loop3A_458 = vector.shape_cast %parallel_loop3A_449 : vector<16xf32> to vector<1x16xf32>
        tpu.vector_store %parallel_loop3A_453[%parallel_loop3A_454, %parallel_loop3A_455], %parallel_loop3A_458 {strides = array<i32>} : memref<128x128xf32, #tpu.memory_space<vmem>>, vector<1x16xf32>,
        %parallel_loop3A_459 = arith.constant 0 : i32
        %parallel_loop3A_460 = arith.constant 0 : i32
        %parallel_loop3A_461 = tpu.memref_slice %arg6[%parallel_loop3A_262, %parallel_loop3A_459, %parallel_loop3A_460] : memref<5x128x128xf32, #tpu.memory_space<vmem>> -> memref<1x128x128xf32, #tpu.memory_space<vmem>>
        %parallel_loop3A_462 = tpu.memref_squeeze %parallel_loop3A_461 : memref<1x128x128xf32, #tpu.memory_space<vmem>> -> memref<128x128xf32, #tpu.memory_space<vmem>>
        %parallel_loop3A_463 = arith.index_cast %parallel_loop3A_378 : i32 to index
        %parallel_loop3A_464 = arith.constant 64 : index
        %parallel_loop3A_465 = tpu.vector_load %parallel_loop3A_462[%parallel_loop3A_463, %parallel_loop3A_464] {strides = array<i32>} : memref<128x128xf32, #tpu.memory_space<vmem>>, vector<1x16xf32>,
        %parallel_loop3A_466 = vector.shape_cast %parallel_loop3A_465 : vector<1x16xf32> to vector<16xf32>
        %parallel_loop3A_467 = arith.constant 11.3137083 : f32
        %parallel_loop3A_468 = vector.broadcast %parallel_loop3A_467 : f32 to vector<16xf32>
        %parallel_loop3A_469 = arith.mulf %parallel_loop3A_466, %parallel_loop3A_468 : vector<16xf32>
        %parallel_loop3A_470 = arith.constant 0 : i32
        %parallel_loop3A_471 = arith.constant 0 : i32
        %parallel_loop3A_472 = tpu.memref_slice %arg6[%parallel_loop3A_262, %parallel_loop3A_470, %parallel_loop3A_471] : memref<5x128x128xf32, #tpu.memory_space<vmem>> -> memref<1x128x128xf32, #tpu.memory_space<vmem>>
        %parallel_loop3A_473 = tpu.memref_squeeze %parallel_loop3A_472 : memref<1x128x128xf32, #tpu.memory_space<vmem>> -> memref<128x128xf32, #tpu.memory_space<vmem>>
        %parallel_loop3A_474 = arith.index_cast %parallel_loop3A_378 : i32 to index
        %parallel_loop3A_475 = arith.constant 64 : index
        %parallel_loop3A_476 = tpu.vector_load %parallel_loop3A_473[%parallel_loop3A_474, %parallel_loop3A_475] {strides = array<i32>} : memref<128x128xf32, #tpu.memory_space<vmem>>, vector<1x16xf32>,
        %parallel_loop3A_477 = vector.shape_cast %parallel_loop3A_476 : vector<1x16xf32> to vector<16xf32>
        %parallel_loop3A_478 = vector.shape_cast %parallel_loop3A_469 : vector<16xf32> to vector<1x16xf32>
        tpu.vector_store %parallel_loop3A_473[%parallel_loop3A_474, %parallel_loop3A_475], %parallel_loop3A_478 {strides = array<i32>} : memref<128x128xf32, #tpu.memory_space<vmem>>, vector<1x16xf32>,
        %parallel_loop3A_479 = arith.constant 0 : i32
        %parallel_loop3A_480 = arith.constant 0 : i32
        %parallel_loop3A_481 = tpu.memref_slice %arg6[%parallel_loop3A_262, %parallel_loop3A_479, %parallel_loop3A_480] : memref<5x128x128xf32, #tpu.memory_space<vmem>> -> memref<1x128x128xf32, #tpu.memory_space<vmem>>
        %parallel_loop3A_482 = tpu.memref_squeeze %parallel_loop3A_481 : memref<1x128x128xf32, #tpu.memory_space<vmem>> -> memref<128x128xf32, #tpu.memory_space<vmem>>
        %parallel_loop3A_483 = arith.index_cast %parallel_loop3A_378 : i32 to index
        %parallel_loop3A_484 = arith.constant 80 : index
        %parallel_loop3A_485 = tpu.vector_load %parallel_loop3A_482[%parallel_loop3A_483, %parallel_loop3A_484] {strides = array<i32>} : memref<128x128xf32, #tpu.memory_space<vmem>>, vector<1x16xf32>,
        %parallel_loop3A_486 = vector.shape_cast %parallel_loop3A_485 : vector<1x16xf32> to vector<16xf32>
        %parallel_loop3A_487 = arith.constant 11.3137083 : f32
        %parallel_loop3A_488 = vector.broadcast %parallel_loop3A_487 : f32 to vector<16xf32>
        %parallel_loop3A_489 = arith.mulf %parallel_loop3A_486, %parallel_loop3A_488 : vector<16xf32>
        %parallel_loop3A_490 = arith.constant 0 : i32
        %parallel_loop3A_491 = arith.constant 0 : i32
        %parallel_loop3A_492 = tpu.memref_slice %arg6[%parallel_loop3A_262, %parallel_loop3A_490, %parallel_loop3A_491] : memref<5x128x128xf32, #tpu.memory_space<vmem>> -> memref<1x128x128xf32, #tpu.memory_space<vmem>>
        %parallel_loop3A_493 = tpu.memref_squeeze %parallel_loop3A_492 : memref<1x128x128xf32, #tpu.memory_space<vmem>> -> memref<128x128xf32, #tpu.memory_space<vmem>>
        %parallel_loop3A_494 = arith.index_cast %parallel_loop3A_378 : i32 to index
        %parallel_loop3A_495 = arith.constant 80 : index
        %parallel_loop3A_496 = tpu.vector_load %parallel_loop3A_493[%parallel_loop3A_494, %parallel_loop3A_495] {strides = array<i32>} : memref<128x128xf32, #tpu.memory_space<vmem>>, vector<1x16xf32>,
        %parallel_loop3A_497 = vector.shape_cast %parallel_loop3A_496 : vector<1x16xf32> to vector<16xf32>
        %parallel_loop3A_498 = vector.shape_cast %parallel_loop3A_489 : vector<16xf32> to vector<1x16xf32>
        tpu.vector_store %parallel_loop3A_493[%parallel_loop3A_494, %parallel_loop3A_495], %parallel_loop3A_498 {strides = array<i32>} : memref<128x128xf32, #tpu.memory_space<vmem>>, vector<1x16xf32>,
        %parallel_loop3A_499 = arith.constant 0 : i32
        %parallel_loop3A_500 = arith.constant 0 : i32
        %parallel_loop3A_501 = tpu.memref_slice %arg6[%parallel_loop3A_262, %parallel_loop3A_499, %parallel_loop3A_500] : memref<5x128x128xf32, #tpu.memory_space<vmem>> -> memref<1x128x128xf32, #tpu.memory_space<vmem>>
        %parallel_loop3A_502 = tpu.memref_squeeze %parallel_loop3A_501 : memref<1x128x128xf32, #tpu.memory_space<vmem>> -> memref<128x128xf32, #tpu.memory_space<vmem>>
        %parallel_loop3A_503 = arith.index_cast %parallel_loop3A_378 : i32 to index
        %parallel_loop3A_504 = arith.constant 96 : index
        %parallel_loop3A_505 = tpu.vector_load %parallel_loop3A_502[%parallel_loop3A_503, %parallel_loop3A_504] {strides = array<i32>} : memref<128x128xf32, #tpu.memory_space<vmem>>, vector<1x16xf32>,
        %parallel_loop3A_506 = vector.shape_cast %parallel_loop3A_505 : vector<1x16xf32> to vector<16xf32>
        %parallel_loop3A_507 = arith.constant 11.3137083 : f32
        %parallel_loop3A_508 = vector.broadcast %parallel_loop3A_507 : f32 to vector<16xf32>
        %parallel_loop3A_509 = arith.mulf %parallel_loop3A_506, %parallel_loop3A_508 : vector<16xf32>
        %parallel_loop3A_510 = arith.constant 0 : i32
        %parallel_loop3A_511 = arith.constant 0 : i32
        %parallel_loop3A_512 = tpu.memref_slice %arg6[%parallel_loop3A_262, %parallel_loop3A_510, %parallel_loop3A_511] : memref<5x128x128xf32, #tpu.memory_space<vmem>> -> memref<1x128x128xf32, #tpu.memory_space<vmem>>
        %parallel_loop3A_513 = tpu.memref_squeeze %parallel_loop3A_512 : memref<1x128x128xf32, #tpu.memory_space<vmem>> -> memref<128x128xf32, #tpu.memory_space<vmem>>
        %parallel_loop3A_514 = arith.index_cast %parallel_loop3A_378 : i32 to index
        %parallel_loop3A_515 = arith.constant 96 : index
        %parallel_loop3A_516 = tpu.vector_load %parallel_loop3A_513[%parallel_loop3A_514, %parallel_loop3A_515] {strides = array<i32>} : memref<128x128xf32, #tpu.memory_space<vmem>>, vector<1x16xf32>,
        %parallel_loop3A_517 = vector.shape_cast %parallel_loop3A_516 : vector<1x16xf32> to vector<16xf32>
        %parallel_loop3A_518 = vector.shape_cast %parallel_loop3A_509 : vector<16xf32> to vector<1x16xf32>
        tpu.vector_store %parallel_loop3A_513[%parallel_loop3A_514, %parallel_loop3A_515], %parallel_loop3A_518 {strides = array<i32>} : memref<128x128xf32, #tpu.memory_space<vmem>>, vector<1x16xf32>,
        %parallel_loop3A_519 = arith.constant 0 : i32
        %parallel_loop3A_520 = arith.constant 0 : i32
        %parallel_loop3A_521 = tpu.memref_slice %arg6[%parallel_loop3A_262, %parallel_loop3A_519, %parallel_loop3A_520] : memref<5x128x128xf32, #tpu.memory_space<vmem>> -> memref<1x128x128xf32, #tpu.memory_space<vmem>>
        %parallel_loop3A_522 = tpu.memref_squeeze %parallel_loop3A_521 : memref<1x128x128xf32, #tpu.memory_space<vmem>> -> memref<128x128xf32, #tpu.memory_space<vmem>>
        %parallel_loop3A_523 = arith.index_cast %parallel_loop3A_378 : i32 to index
        %parallel_loop3A_524 = arith.constant 112 : index
        %parallel_loop3A_525 = tpu.vector_load %parallel_loop3A_522[%parallel_loop3A_523, %parallel_loop3A_524] {strides = array<i32>} : memref<128x128xf32, #tpu.memory_space<vmem>>, vector<1x16xf32>,
        %parallel_loop3A_526 = vector.shape_cast %parallel_loop3A_525 : vector<1x16xf32> to vector<16xf32>
        %parallel_loop3A_527 = arith.constant 11.3137083 : f32
        %parallel_loop3A_528 = vector.broadcast %parallel_loop3A_527 : f32 to vector<16xf32>
        %parallel_loop3A_529 = arith.mulf %parallel_loop3A_526, %parallel_loop3A_528 : vector<16xf32>
        %parallel_loop3A_530 = arith.constant 0 : i32
        %parallel_loop3A_531 = arith.constant 0 : i32
        %parallel_loop3A_532 = tpu.memref_slice %arg6[%parallel_loop3A_262, %parallel_loop3A_530, %parallel_loop3A_531] : memref<5x128x128xf32, #tpu.memory_space<vmem>> -> memref<1x128x128xf32, #tpu.memory_space<vmem>>
        %parallel_loop3A_533 = tpu.memref_squeeze %parallel_loop3A_532 : memref<1x128x128xf32, #tpu.memory_space<vmem>> -> memref<128x128xf32, #tpu.memory_space<vmem>>
        %parallel_loop3A_534 = arith.index_cast %parallel_loop3A_378 : i32 to index
        %parallel_loop3A_535 = arith.constant 112 : index
        %parallel_loop3A_536 = tpu.vector_load %parallel_loop3A_533[%parallel_loop3A_534, %parallel_loop3A_535] {strides = array<i32>} : memref<128x128xf32, #tpu.memory_space<vmem>>, vector<1x16xf32>,
        %parallel_loop3A_537 = vector.shape_cast %parallel_loop3A_536 : vector<1x16xf32> to vector<16xf32>
        %parallel_loop3A_538 = vector.shape_cast %parallel_loop3A_529 : vector<16xf32> to vector<1x16xf32>
        tpu.vector_store %parallel_loop3A_533[%parallel_loop3A_534, %parallel_loop3A_535], %parallel_loop3A_538 {strides = array<i32>} : memref<128x128xf32, #tpu.memory_space<vmem>>, vector<1x16xf32>,
      } {sc.loop_unroll_factor = 2 : i64, sc.parallel_access}
      %mul3A_263 = arith.constant 128 : i32
      %mul3A_264 = arith.muli %add3A_237, %mul3A_263 : i32
      %add3A_265 = arith.addi %mul3A_2, %mul3A_264 : i32
      %dma_start3A_266 = arith.constant 2 : i32
      %dma_start3A_267 = arith.constant 2 : i32
      %dma_start3A_268 = arith.constant 0 : i32
      %dma_start3A_269 = arith.constant 0 : i32
      %dma_start3A_270 = tpu.memref_slice %arg6[%dma_start3A_266, %dma_start3A_268, %dma_start3A_269] : memref<5x128x128xf32, #tpu.memory_space<vmem>> -> memref<1x128x128xf32, #tpu.memory_space<vmem>>
      %dma_start3A_271 = tpu.memref_squeeze %dma_start3A_270 : memref<1x128x128xf32, #tpu.memory_space<vmem>> -> memref<128x128xf32, #tpu.memory_space<vmem>>
      %dma_start3A_272 = arith.constant 0 : i32
      %dma_start3A_273 = tpu.memref_slice %arg4[%add3A_265, %dma_start3A_272] : memref<819200x128xf32, #tpu.memory_space<hbm>> -> memref<128x128xf32, #tpu.memory_space<hbm>>
      %dma_start3A_274 = tpu.memref_slice %arg8[%dma_start3A_267] : memref<5x!tpu.dma_semaphore, #tpu.memory_space<semaphore_mem>> -> memref<1x!tpu.dma_semaphore, #tpu.memory_space<semaphore_mem>>
      %dma_start3A_275 = tpu.memref_squeeze %dma_start3A_274 : memref<1x!tpu.dma_semaphore, #tpu.memory_space<semaphore_mem>> -> memref<!tpu.dma_semaphore, #tpu.memory_space<semaphore_mem>>
      %dma_start3A_276 = arith.constant 0 : i32
      %dma_start3A_277 = tpu.memref_slice %arg4[%add3A_265, %dma_start3A_276] : memref<819200x128xf32, #tpu.memory_space<hbm>> -> memref<128x128xf32, #tpu.memory_space<hbm>>
      %dma_start3A_278 = arith.constant 0 : i32
      %dma_start3A_279 = arith.constant 0 : i32
      %dma_start3A_280 = tpu.memref_slice %arg6[%dma_start3A_266, %dma_start3A_278, %dma_start3A_279] : memref<5x128x128xf32, #tpu.memory_space<vmem>> -> memref<1x128x128xf32, #tpu.memory_space<vmem>>
      %dma_start3A_281 = tpu.memref_squeeze %dma_start3A_280 : memref<1x128x128xf32, #tpu.memory_space<vmem>> -> memref<128x128xf32, #tpu.memory_space<vmem>>
      tpu.enqueue_dma source(%dma_start3A_281 : memref<128x128xf32, #tpu.memory_space<vmem>>) target(%dma_start3A_277 : memref<128x128xf32, #tpu.memory_space<hbm>>) target_semaphore(%dma_start3A_275 : memref<!tpu.dma_semaphore, #tpu.memory_space<semaphore_mem>>)
      %mul3A_282 = arith.constant 5 : i32
      %mul3A_283 = arith.muli %scan3A_141, %mul3A_282 : i32
      %add3A_284 = arith.constant 3 : i32
      %add3A_285 = arith.addi %mul3A_283, %add3A_284 : i32
      %add3A_286 = arith.constant 3 : i32
      %add3A_287 = arith.addi %add3A_285, %add3A_286 : i32
      %lt3A_288 = arith.constant 200 : i32
      %lt3A_289 = arith.cmpi slt, %add3A_287, %lt3A_288 : i32
      %convert_element_type3A_290 = arith.extui %lt3A_289 : i1 to i32
      %cond3A_291 = arith.constant 0 : i32
      %cond3A_292 = arith.cmpi ne, %convert_element_type3A_290, %cond3A_291 : i32
      scf.if %cond3A_292 {
        %ge3A = arith.constant 5 : i32
        %ge3A_378 = arith.cmpi sge, %add3A_287, %ge3A : i32
        %convert_element_type3A_379 = arith.extui %ge3A_378 : i1 to i32
        %cond3A_380 = arith.constant 0 : i32
        %cond3A_381 = arith.cmpi ne, %convert_element_type3A_379, %cond3A_380 : i32
        scf.if %cond3A_381 {
          %dma_wait3A_396 = arith.constant 1 : i32
          %dma_wait3A_397 = arith.constant 1 : i32
          %dma_wait3A_398 = arith.constant 0 : i32
          %dma_wait3A_399 = arith.constant 0 : i32
          %dma_wait3A_400 = tpu.memref_slice %arg6[%dma_wait3A_396, %dma_wait3A_398, %dma_wait3A_399] : memref<5x128x128xf32, #tpu.memory_space<vmem>> -> memref<1x128x128xf32, #tpu.memory_space<vmem>>
          %dma_wait3A_401 = tpu.memref_squeeze %dma_wait3A_400 : memref<1x128x128xf32, #tpu.memory_space<vmem>> -> memref<128x128xf32, #tpu.memory_space<vmem>>
          %dma_wait3A_402 = arith.constant 0 : i32
          %dma_wait3A_403 = arith.constant 0 : i32
          %dma_wait3A_404 = tpu.memref_slice %arg4[%dma_wait3A_402, %dma_wait3A_403] : memref<819200x128xf32, #tpu.memory_space<hbm>> -> memref<128x128xf32, #tpu.memory_space<hbm>>
          %dma_wait3A_405 = tpu.memref_slice %arg8[%dma_wait3A_397] : memref<5x!tpu.dma_semaphore, #tpu.memory_space<semaphore_mem>> -> memref<1x!tpu.dma_semaphore, #tpu.memory_space<semaphore_mem>>
          %dma_wait3A_406 = tpu.memref_squeeze %dma_wait3A_405 : memref<1x!tpu.dma_semaphore, #tpu.memory_space<semaphore_mem>> -> memref<!tpu.dma_semaphore, #tpu.memory_space<semaphore_mem>>
          %dma_wait3A_407 = arith.constant 0 : i32
          %dma_wait3A_408 = arith.constant 0 : i32
          %dma_wait3A_409 = tpu.memref_slice %arg4[%dma_wait3A_407, %dma_wait3A_408] : memref<819200x128xf32, #tpu.memory_space<hbm>> -> memref<128x128xf32, #tpu.memory_space<hbm>>
          %dma_wait3A_410 = arith.constant 0 : i32
          %dma_wait3A_411 = arith.constant 0 : i32
          %dma_wait3A_412 = tpu.memref_slice %arg6[%dma_wait3A_396, %dma_wait3A_410, %dma_wait3A_411] : memref<5x128x128xf32, #tpu.memory_space<vmem>> -> memref<1x128x128xf32, #tpu.memory_space<vmem>>
          %dma_wait3A_413 = tpu.memref_squeeze %dma_wait3A_412 : memref<1x128x128xf32, #tpu.memory_space<vmem>> -> memref<128x128xf32, #tpu.memory_space<vmem>>
          tpu.wait_dma2 semaphore(%dma_wait3A_406 : memref<!tpu.dma_semaphore, #tpu.memory_space<semaphore_mem>>) src(%dma_wait3A_413 : memref<128x128xf32, #tpu.memory_space<vmem>>) dst(%dma_wait3A_409 : memref<128x128xf32, #tpu.memory_space<hbm>>)
        } else {
        }
        %dma_start3A_382 = arith.constant 1 : i32
        %dma_start3A_383 = arith.constant 1 : i32
        %dma_start3A_384 = arith.constant 0 : i32
        %dma_start3A_385 = arith.constant 0 : i32
        %dma_start3A_386 = tpu.memref_slice %arg6[%dma_start3A_382, %dma_start3A_384, %dma_start3A_385] : memref<5x128x128xf32, #tpu.memory_space<vmem>> -> memref<1x128x128xf32, #tpu.memory_space<vmem>>
        %dma_start3A_387 = tpu.memref_squeeze %dma_start3A_386 : memref<1x128x128xf32, #tpu.memory_space<vmem>> -> memref<128x128xf32, #tpu.memory_space<vmem>>
        %dma_start3A_388 = arith.constant 0 : i32
        %dma_start3A_389 = tpu.memref_slice %arg5[%add3A_287, %dma_start3A_388] : memref<200x128xi32, #tpu.memory_space<vmem>> -> memref<1x128xi32, #tpu.memory_space<vmem>>
        %dma_start3A_390 = tpu.memref_squeeze %dma_start3A_389 : memref<1x128xi32, #tpu.memory_space<vmem>> -> memref<128xi32, #tpu.memory_space<vmem>>
        %dma_start3A_391 = arith.constant 0 : i32
        %dma_start3A_392 = arith.constant 0 : i32
        %dma_start3A_393 = tpu.memref_slice %arg3[%dma_start3A_391, %dma_start3A_392] : memref<1000000x128xf32, #tpu.memory_space<hbm>> -> memref<1000000x128xf32, #tpu.memory_space<hbm>>
        %dma_start3A_394 = tpu.memref_slice %arg7[%dma_start3A_383] : memref<5x!tpu.dma_semaphore, #tpu.memory_space<semaphore_mem>> -> memref<1x!tpu.dma_semaphore, #tpu.memory_space<semaphore_mem>>
        %dma_start3A_395 = tpu.memref_squeeze %dma_start3A_394 : memref<1x!tpu.dma_semaphore, #tpu.memory_space<semaphore_mem>> -> memref<!tpu.dma_semaphore, #tpu.memory_space<semaphore_mem>>
        tpu.enqueue_indirect_dma source(%dma_start3A_393 : memref<1000000x128xf32, #tpu.memory_space<hbm>>) target(%dma_start3A_387 : memref<128x128xf32, #tpu.memory_space<vmem>>) offsets(%dma_start3A_390 : memref<128xi32, #tpu.memory_space<vmem>>) semaphore(%dma_start3A_395 : memref<!tpu.dma_semaphore, #tpu.memory_space<semaphore_mem>>)
      } else {
      }
      %dma_wait3A_293 = arith.constant 3 : i32
      %dma_wait3A_294 = arith.constant 3 : i32
      %dma_wait3A_295 = arith.constant 0 : i32
      %dma_wait3A_296 = arith.constant 0 : i32
      %dma_wait3A_297 = tpu.memref_slice %arg6[%dma_wait3A_293, %dma_wait3A_295, %dma_wait3A_296] : memref<5x128x128xf32, #tpu.memory_space<vmem>> -> memref<1x128x128xf32, #tpu.memory_space<vmem>>
      %dma_wait3A_298 = tpu.memref_squeeze %dma_wait3A_297 : memref<1x128x128xf32, #tpu.memory_space<vmem>> -> memref<128x128xf32, #tpu.memory_space<vmem>>
      %dma_wait3A_299 = arith.constant 0 : i32
      %dma_wait3A_300 = tpu.memref_slice %arg5[%add3A_285, %dma_wait3A_299] : memref<200x128xi32, #tpu.memory_space<vmem>> -> memref<1x128xi32, #tpu.memory_space<vmem>>
      %dma_wait3A_301 = tpu.memref_squeeze %dma_wait3A_300 : memref<1x128xi32, #tpu.memory_space<vmem>> -> memref<128xi32, #tpu.memory_space<vmem>>
      %dma_wait3A_302 = arith.constant 0 : i32
      %dma_wait3A_303 = arith.constant 0 : i32
      %dma_wait3A_304 = tpu.memref_slice %arg3[%dma_wait3A_302, %dma_wait3A_303] : memref<1000000x128xf32, #tpu.memory_space<hbm>> -> memref<1000000x128xf32, #tpu.memory_space<hbm>>
      %dma_wait3A_305 = tpu.memref_slice %arg7[%dma_wait3A_294] : memref<5x!tpu.dma_semaphore, #tpu.memory_space<semaphore_mem>> -> memref<1x!tpu.dma_semaphore, #tpu.memory_space<semaphore_mem>>
      %dma_wait3A_306 = tpu.memref_squeeze %dma_wait3A_305 : memref<1x!tpu.dma_semaphore, #tpu.memory_space<semaphore_mem>> -> memref<!tpu.dma_semaphore, #tpu.memory_space<semaphore_mem>>
      tpu.wait_indirect_dma semaphore(%dma_wait3A_306 : memref<!tpu.dma_semaphore, #tpu.memory_space<semaphore_mem>>) src(%dma_wait3A_304 : memref<1000000x128xf32, #tpu.memory_space<hbm>>) dst(%dma_wait3A_298 : memref<128x128xf32, #tpu.memory_space<vmem>>)
      %parallel_loop3A_307 = arith.constant 0 : i32
      %parallel_loop3A_308 = arith.constant 128 : i32
      %parallel_loop3A_309 = arith.constant 1 : i32
      %parallel_loop3A_310 = arith.constant 3 : i32
      scf.for %parallel_loop3A_378 = %parallel_loop3A_307 to %parallel_loop3A_308 step %parallel_loop3A_309  : i32 {
        %parallel_loop3A_379 = arith.constant 0 : i32
        %parallel_loop3A_380 = arith.constant 0 : i32
        %parallel_loop3A_381 = tpu.memref_slice %arg6[%parallel_loop3A_310, %parallel_loop3A_379, %parallel_loop3A_380] : memref<5x128x128xf32, #tpu.memory_space<vmem>> -> memref<1x128x128xf32, #tpu.memory_space<vmem>>
        %parallel_loop3A_382 = tpu.memref_squeeze %parallel_loop3A_381 : memref<1x128x128xf32, #tpu.memory_space<vmem>> -> memref<128x128xf32, #tpu.memory_space<vmem>>
        %parallel_loop3A_383 = arith.index_cast %parallel_loop3A_378 : i32 to index
        %parallel_loop3A_384 = arith.constant 0 : index
        %parallel_loop3A_385 = tpu.vector_load %parallel_loop3A_382[%parallel_loop3A_383, %parallel_loop3A_384] {strides = array<i32>} : memref<128x128xf32, #tpu.memory_space<vmem>>, vector<1x16xf32>,
        %parallel_loop3A_386 = vector.shape_cast %parallel_loop3A_385 : vector<1x16xf32> to vector<16xf32>
        %parallel_loop3A_387 = arith.constant 11.3137083 : f32
        %parallel_loop3A_388 = vector.broadcast %parallel_loop3A_387 : f32 to vector<16xf32>
        %parallel_loop3A_389 = arith.mulf %parallel_loop3A_386, %parallel_loop3A_388 : vector<16xf32>
        %parallel_loop3A_390 = arith.constant 0 : i32
        %parallel_loop3A_391 = arith.constant 0 : i32
        %parallel_loop3A_392 = tpu.memref_slice %arg6[%parallel_loop3A_310, %parallel_loop3A_390, %parallel_loop3A_391] : memref<5x128x128xf32, #tpu.memory_space<vmem>> -> memref<1x128x128xf32, #tpu.memory_space<vmem>>
        %parallel_loop3A_393 = tpu.memref_squeeze %parallel_loop3A_392 : memref<1x128x128xf32, #tpu.memory_space<vmem>> -> memref<128x128xf32, #tpu.memory_space<vmem>>
        %parallel_loop3A_394 = arith.index_cast %parallel_loop3A_378 : i32 to index
        %parallel_loop3A_395 = arith.constant 0 : index
        %parallel_loop3A_396 = tpu.vector_load %parallel_loop3A_393[%parallel_loop3A_394, %parallel_loop3A_395] {strides = array<i32>} : memref<128x128xf32, #tpu.memory_space<vmem>>, vector<1x16xf32>,
        %parallel_loop3A_397 = vector.shape_cast %parallel_loop3A_396 : vector<1x16xf32> to vector<16xf32>
        %parallel_loop3A_398 = vector.shape_cast %parallel_loop3A_389 : vector<16xf32> to vector<1x16xf32>
        tpu.vector_store %parallel_loop3A_393[%parallel_loop3A_394, %parallel_loop3A_395], %parallel_loop3A_398 {strides = array<i32>} : memref<128x128xf32, #tpu.memory_space<vmem>>, vector<1x16xf32>,
        %parallel_loop3A_399 = arith.constant 0 : i32
        %parallel_loop3A_400 = arith.constant 0 : i32
        %parallel_loop3A_401 = tpu.memref_slice %arg6[%parallel_loop3A_310, %parallel_loop3A_399, %parallel_loop3A_400] : memref<5x128x128xf32, #tpu.memory_space<vmem>> -> memref<1x128x128xf32, #tpu.memory_space<vmem>>
        %parallel_loop3A_402 = tpu.memref_squeeze %parallel_loop3A_401 : memref<1x128x128xf32, #tpu.memory_space<vmem>> -> memref<128x128xf32, #tpu.memory_space<vmem>>
        %parallel_loop3A_403 = arith.index_cast %parallel_loop3A_378 : i32 to index
        %parallel_loop3A_404 = arith.constant 16 : index
        %parallel_loop3A_405 = tpu.vector_load %parallel_loop3A_402[%parallel_loop3A_403, %parallel_loop3A_404] {strides = array<i32>} : memref<128x128xf32, #tpu.memory_space<vmem>>, vector<1x16xf32>,
        %parallel_loop3A_406 = vector.shape_cast %parallel_loop3A_405 : vector<1x16xf32> to vector<16xf32>
        %parallel_loop3A_407 = arith.constant 11.3137083 : f32
        %parallel_loop3A_408 = vector.broadcast %parallel_loop3A_407 : f32 to vector<16xf32>
        %parallel_loop3A_409 = arith.mulf %parallel_loop3A_406, %parallel_loop3A_408 : vector<16xf32>
        %parallel_loop3A_410 = arith.constant 0 : i32
        %parallel_loop3A_411 = arith.constant 0 : i32
        %parallel_loop3A_412 = tpu.memref_slice %arg6[%parallel_loop3A_310, %parallel_loop3A_410, %parallel_loop3A_411] : memref<5x128x128xf32, #tpu.memory_space<vmem>> -> memref<1x128x128xf32, #tpu.memory_space<vmem>>
        %parallel_loop3A_413 = tpu.memref_squeeze %parallel_loop3A_412 : memref<1x128x128xf32, #tpu.memory_space<vmem>> -> memref<128x128xf32, #tpu.memory_space<vmem>>
        %parallel_loop3A_414 = arith.index_cast %parallel_loop3A_378 : i32 to index
        %parallel_loop3A_415 = arith.constant 16 : index
        %parallel_loop3A_416 = tpu.vector_load %parallel_loop3A_413[%parallel_loop3A_414, %parallel_loop3A_415] {strides = array<i32>} : memref<128x128xf32, #tpu.memory_space<vmem>>, vector<1x16xf32>,
        %parallel_loop3A_417 = vector.shape_cast %parallel_loop3A_416 : vector<1x16xf32> to vector<16xf32>
        %parallel_loop3A_418 = vector.shape_cast %parallel_loop3A_409 : vector<16xf32> to vector<1x16xf32>
        tpu.vector_store %parallel_loop3A_413[%parallel_loop3A_414, %parallel_loop3A_415], %parallel_loop3A_418 {strides = array<i32>} : memref<128x128xf32, #tpu.memory_space<vmem>>, vector<1x16xf32>,
        %parallel_loop3A_419 = arith.constant 0 : i32
        %parallel_loop3A_420 = arith.constant 0 : i32
        %parallel_loop3A_421 = tpu.memref_slice %arg6[%parallel_loop3A_310, %parallel_loop3A_419, %parallel_loop3A_420] : memref<5x128x128xf32, #tpu.memory_space<vmem>> -> memref<1x128x128xf32, #tpu.memory_space<vmem>>
        %parallel_loop3A_422 = tpu.memref_squeeze %parallel_loop3A_421 : memref<1x128x128xf32, #tpu.memory_space<vmem>> -> memref<128x128xf32, #tpu.memory_space<vmem>>
        %parallel_loop3A_423 = arith.index_cast %parallel_loop3A_378 : i32 to index
        %parallel_loop3A_424 = arith.constant 32 : index
        %parallel_loop3A_425 = tpu.vector_load %parallel_loop3A_422[%parallel_loop3A_423, %parallel_loop3A_424] {strides = array<i32>} : memref<128x128xf32, #tpu.memory_space<vmem>>, vector<1x16xf32>,
        %parallel_loop3A_426 = vector.shape_cast %parallel_loop3A_425 : vector<1x16xf32> to vector<16xf32>
        %parallel_loop3A_427 = arith.constant 11.3137083 : f32
        %parallel_loop3A_428 = vector.broadcast %parallel_loop3A_427 : f32 to vector<16xf32>
        %parallel_loop3A_429 = arith.mulf %parallel_loop3A_426, %parallel_loop3A_428 : vector<16xf32>
        %parallel_loop3A_430 = arith.constant 0 : i32
        %parallel_loop3A_431 = arith.constant 0 : i32
        %parallel_loop3A_432 = tpu.memref_slice %arg6[%parallel_loop3A_310, %parallel_loop3A_430, %parallel_loop3A_431] : memref<5x128x128xf32, #tpu.memory_space<vmem>> -> memref<1x128x128xf32, #tpu.memory_space<vmem>>
        %parallel_loop3A_433 = tpu.memref_squeeze %parallel_loop3A_432 : memref<1x128x128xf32, #tpu.memory_space<vmem>> -> memref<128x128xf32, #tpu.memory_space<vmem>>
        %parallel_loop3A_434 = arith.index_cast %parallel_loop3A_378 : i32 to index
        %parallel_loop3A_435 = arith.constant 32 : index
        %parallel_loop3A_436 = tpu.vector_load %parallel_loop3A_433[%parallel_loop3A_434, %parallel_loop3A_435] {strides = array<i32>} : memref<128x128xf32, #tpu.memory_space<vmem>>, vector<1x16xf32>,
        %parallel_loop3A_437 = vector.shape_cast %parallel_loop3A_436 : vector<1x16xf32> to vector<16xf32>
        %parallel_loop3A_438 = vector.shape_cast %parallel_loop3A_429 : vector<16xf32> to vector<1x16xf32>
        tpu.vector_store %parallel_loop3A_433[%parallel_loop3A_434, %parallel_loop3A_435], %parallel_loop3A_438 {strides = array<i32>} : memref<128x128xf32, #tpu.memory_space<vmem>>, vector<1x16xf32>,
        %parallel_loop3A_439 = arith.constant 0 : i32
        %parallel_loop3A_440 = arith.constant 0 : i32
        %parallel_loop3A_441 = tpu.memref_slice %arg6[%parallel_loop3A_310, %parallel_loop3A_439, %parallel_loop3A_440] : memref<5x128x128xf32, #tpu.memory_space<vmem>> -> memref<1x128x128xf32, #tpu.memory_space<vmem>>
        %parallel_loop3A_442 = tpu.memref_squeeze %parallel_loop3A_441 : memref<1x128x128xf32, #tpu.memory_space<vmem>> -> memref<128x128xf32, #tpu.memory_space<vmem>>
        %parallel_loop3A_443 = arith.index_cast %parallel_loop3A_378 : i32 to index
        %parallel_loop3A_444 = arith.constant 48 : index
        %parallel_loop3A_445 = tpu.vector_load %parallel_loop3A_442[%parallel_loop3A_443, %parallel_loop3A_444] {strides = array<i32>} : memref<128x128xf32, #tpu.memory_space<vmem>>, vector<1x16xf32>,
        %parallel_loop3A_446 = vector.shape_cast %parallel_loop3A_445 : vector<1x16xf32> to vector<16xf32>
        %parallel_loop3A_447 = arith.constant 11.3137083 : f32
        %parallel_loop3A_448 = vector.broadcast %parallel_loop3A_447 : f32 to vector<16xf32>
        %parallel_loop3A_449 = arith.mulf %parallel_loop3A_446, %parallel_loop3A_448 : vector<16xf32>
        %parallel_loop3A_450 = arith.constant 0 : i32
        %parallel_loop3A_451 = arith.constant 0 : i32
        %parallel_loop3A_452 = tpu.memref_slice %arg6[%parallel_loop3A_310, %parallel_loop3A_450, %parallel_loop3A_451] : memref<5x128x128xf32, #tpu.memory_space<vmem>> -> memref<1x128x128xf32, #tpu.memory_space<vmem>>
        %parallel_loop3A_453 = tpu.memref_squeeze %parallel_loop3A_452 : memref<1x128x128xf32, #tpu.memory_space<vmem>> -> memref<128x128xf32, #tpu.memory_space<vmem>>
        %parallel_loop3A_454 = arith.index_cast %parallel_loop3A_378 : i32 to index
        %parallel_loop3A_455 = arith.constant 48 : index
        %parallel_loop3A_456 = tpu.vector_load %parallel_loop3A_453[%parallel_loop3A_454, %parallel_loop3A_455] {strides = array<i32>} : memref<128x128xf32, #tpu.memory_space<vmem>>, vector<1x16xf32>,
        %parallel_loop3A_457 = vector.shape_cast %parallel_loop3A_456 : vector<1x16xf32> to vector<16xf32>
        %parallel_loop3A_458 = vector.shape_cast %parallel_loop3A_449 : vector<16xf32> to vector<1x16xf32>
        tpu.vector_store %parallel_loop3A_453[%parallel_loop3A_454, %parallel_loop3A_455], %parallel_loop3A_458 {strides = array<i32>} : memref<128x128xf32, #tpu.memory_space<vmem>>, vector<1x16xf32>,
        %parallel_loop3A_459 = arith.constant 0 : i32
        %parallel_loop3A_460 = arith.constant 0 : i32
        %parallel_loop3A_461 = tpu.memref_slice %arg6[%parallel_loop3A_310, %parallel_loop3A_459, %parallel_loop3A_460] : memref<5x128x128xf32, #tpu.memory_space<vmem>> -> memref<1x128x128xf32, #tpu.memory_space<vmem>>
        %parallel_loop3A_462 = tpu.memref_squeeze %parallel_loop3A_461 : memref<1x128x128xf32, #tpu.memory_space<vmem>> -> memref<128x128xf32, #tpu.memory_space<vmem>>
        %parallel_loop3A_463 = arith.index_cast %parallel_loop3A_378 : i32 to index
        %parallel_loop3A_464 = arith.constant 64 : index
        %parallel_loop3A_465 = tpu.vector_load %parallel_loop3A_462[%parallel_loop3A_463, %parallel_loop3A_464] {strides = array<i32>} : memref<128x128xf32, #tpu.memory_space<vmem>>, vector<1x16xf32>,
        %parallel_loop3A_466 = vector.shape_cast %parallel_loop3A_465 : vector<1x16xf32> to vector<16xf32>
        %parallel_loop3A_467 = arith.constant 11.3137083 : f32
        %parallel_loop3A_468 = vector.broadcast %parallel_loop3A_467 : f32 to vector<16xf32>
        %parallel_loop3A_469 = arith.mulf %parallel_loop3A_466, %parallel_loop3A_468 : vector<16xf32>
        %parallel_loop3A_470 = arith.constant 0 : i32
        %parallel_loop3A_471 = arith.constant 0 : i32
        %parallel_loop3A_472 = tpu.memref_slice %arg6[%parallel_loop3A_310, %parallel_loop3A_470, %parallel_loop3A_471] : memref<5x128x128xf32, #tpu.memory_space<vmem>> -> memref<1x128x128xf32, #tpu.memory_space<vmem>>
        %parallel_loop3A_473 = tpu.memref_squeeze %parallel_loop3A_472 : memref<1x128x128xf32, #tpu.memory_space<vmem>> -> memref<128x128xf32, #tpu.memory_space<vmem>>
        %parallel_loop3A_474 = arith.index_cast %parallel_loop3A_378 : i32 to index
        %parallel_loop3A_475 = arith.constant 64 : index
        %parallel_loop3A_476 = tpu.vector_load %parallel_loop3A_473[%parallel_loop3A_474, %parallel_loop3A_475] {strides = array<i32>} : memref<128x128xf32, #tpu.memory_space<vmem>>, vector<1x16xf32>,
        %parallel_loop3A_477 = vector.shape_cast %parallel_loop3A_476 : vector<1x16xf32> to vector<16xf32>
        %parallel_loop3A_478 = vector.shape_cast %parallel_loop3A_469 : vector<16xf32> to vector<1x16xf32>
        tpu.vector_store %parallel_loop3A_473[%parallel_loop3A_474, %parallel_loop3A_475], %parallel_loop3A_478 {strides = array<i32>} : memref<128x128xf32, #tpu.memory_space<vmem>>, vector<1x16xf32>,
        %parallel_loop3A_479 = arith.constant 0 : i32
        %parallel_loop3A_480 = arith.constant 0 : i32
        %parallel_loop3A_481 = tpu.memref_slice %arg6[%parallel_loop3A_310, %parallel_loop3A_479, %parallel_loop3A_480] : memref<5x128x128xf32, #tpu.memory_space<vmem>> -> memref<1x128x128xf32, #tpu.memory_space<vmem>>
        %parallel_loop3A_482 = tpu.memref_squeeze %parallel_loop3A_481 : memref<1x128x128xf32, #tpu.memory_space<vmem>> -> memref<128x128xf32, #tpu.memory_space<vmem>>
        %parallel_loop3A_483 = arith.index_cast %parallel_loop3A_378 : i32 to index
        %parallel_loop3A_484 = arith.constant 80 : index
        %parallel_loop3A_485 = tpu.vector_load %parallel_loop3A_482[%parallel_loop3A_483, %parallel_loop3A_484] {strides = array<i32>} : memref<128x128xf32, #tpu.memory_space<vmem>>, vector<1x16xf32>,
        %parallel_loop3A_486 = vector.shape_cast %parallel_loop3A_485 : vector<1x16xf32> to vector<16xf32>
        %parallel_loop3A_487 = arith.constant 11.3137083 : f32
        %parallel_loop3A_488 = vector.broadcast %parallel_loop3A_487 : f32 to vector<16xf32>
        %parallel_loop3A_489 = arith.mulf %parallel_loop3A_486, %parallel_loop3A_488 : vector<16xf32>
        %parallel_loop3A_490 = arith.constant 0 : i32
        %parallel_loop3A_491 = arith.constant 0 : i32
        %parallel_loop3A_492 = tpu.memref_slice %arg6[%parallel_loop3A_310, %parallel_loop3A_490, %parallel_loop3A_491] : memref<5x128x128xf32, #tpu.memory_space<vmem>> -> memref<1x128x128xf32, #tpu.memory_space<vmem>>
        %parallel_loop3A_493 = tpu.memref_squeeze %parallel_loop3A_492 : memref<1x128x128xf32, #tpu.memory_space<vmem>> -> memref<128x128xf32, #tpu.memory_space<vmem>>
        %parallel_loop3A_494 = arith.index_cast %parallel_loop3A_378 : i32 to index
        %parallel_loop3A_495 = arith.constant 80 : index
        %parallel_loop3A_496 = tpu.vector_load %parallel_loop3A_493[%parallel_loop3A_494, %parallel_loop3A_495] {strides = array<i32>} : memref<128x128xf32, #tpu.memory_space<vmem>>, vector<1x16xf32>,
        %parallel_loop3A_497 = vector.shape_cast %parallel_loop3A_496 : vector<1x16xf32> to vector<16xf32>
        %parallel_loop3A_498 = vector.shape_cast %parallel_loop3A_489 : vector<16xf32> to vector<1x16xf32>
        tpu.vector_store %parallel_loop3A_493[%parallel_loop3A_494, %parallel_loop3A_495], %parallel_loop3A_498 {strides = array<i32>} : memref<128x128xf32, #tpu.memory_space<vmem>>, vector<1x16xf32>,
        %parallel_loop3A_499 = arith.constant 0 : i32
        %parallel_loop3A_500 = arith.constant 0 : i32
        %parallel_loop3A_501 = tpu.memref_slice %arg6[%parallel_loop3A_310, %parallel_loop3A_499, %parallel_loop3A_500] : memref<5x128x128xf32, #tpu.memory_space<vmem>> -> memref<1x128x128xf32, #tpu.memory_space<vmem>>
        %parallel_loop3A_502 = tpu.memref_squeeze %parallel_loop3A_501 : memref<1x128x128xf32, #tpu.memory_space<vmem>> -> memref<128x128xf32, #tpu.memory_space<vmem>>
        %parallel_loop3A_503 = arith.index_cast %parallel_loop3A_378 : i32 to index
        %parallel_loop3A_504 = arith.constant 96 : index
        %parallel_loop3A_505 = tpu.vector_load %parallel_loop3A_502[%parallel_loop3A_503, %parallel_loop3A_504] {strides = array<i32>} : memref<128x128xf32, #tpu.memory_space<vmem>>, vector<1x16xf32>,
        %parallel_loop3A_506 = vector.shape_cast %parallel_loop3A_505 : vector<1x16xf32> to vector<16xf32>
        %parallel_loop3A_507 = arith.constant 11.3137083 : f32
        %parallel_loop3A_508 = vector.broadcast %parallel_loop3A_507 : f32 to vector<16xf32>
        %parallel_loop3A_509 = arith.mulf %parallel_loop3A_506, %parallel_loop3A_508 : vector<16xf32>
        %parallel_loop3A_510 = arith.constant 0 : i32
        %parallel_loop3A_511 = arith.constant 0 : i32
        %parallel_loop3A_512 = tpu.memref_slice %arg6[%parallel_loop3A_310, %parallel_loop3A_510, %parallel_loop3A_511] : memref<5x128x128xf32, #tpu.memory_space<vmem>> -> memref<1x128x128xf32, #tpu.memory_space<vmem>>
        %parallel_loop3A_513 = tpu.memref_squeeze %parallel_loop3A_512 : memref<1x128x128xf32, #tpu.memory_space<vmem>> -> memref<128x128xf32, #tpu.memory_space<vmem>>
        %parallel_loop3A_514 = arith.index_cast %parallel_loop3A_378 : i32 to index
        %parallel_loop3A_515 = arith.constant 96 : index
        %parallel_loop3A_516 = tpu.vector_load %parallel_loop3A_513[%parallel_loop3A_514, %parallel_loop3A_515] {strides = array<i32>} : memref<128x128xf32, #tpu.memory_space<vmem>>, vector<1x16xf32>,
        %parallel_loop3A_517 = vector.shape_cast %parallel_loop3A_516 : vector<1x16xf32> to vector<16xf32>
        %parallel_loop3A_518 = vector.shape_cast %parallel_loop3A_509 : vector<16xf32> to vector<1x16xf32>
        tpu.vector_store %parallel_loop3A_513[%parallel_loop3A_514, %parallel_loop3A_515], %parallel_loop3A_518 {strides = array<i32>} : memref<128x128xf32, #tpu.memory_space<vmem>>, vector<1x16xf32>,
        %parallel_loop3A_519 = arith.constant 0 : i32
        %parallel_loop3A_520 = arith.constant 0 : i32
        %parallel_loop3A_521 = tpu.memref_slice %arg6[%parallel_loop3A_310, %parallel_loop3A_519, %parallel_loop3A_520] : memref<5x128x128xf32, #tpu.memory_space<vmem>> -> memref<1x128x128xf32, #tpu.memory_space<vmem>>
        %parallel_loop3A_522 = tpu.memref_squeeze %parallel_loop3A_521 : memref<1x128x128xf32, #tpu.memory_space<vmem>> -> memref<128x128xf32, #tpu.memory_space<vmem>>
        %parallel_loop3A_523 = arith.index_cast %parallel_loop3A_378 : i32 to index
        %parallel_loop3A_524 = arith.constant 112 : index
        %parallel_loop3A_525 = tpu.vector_load %parallel_loop3A_522[%parallel_loop3A_523, %parallel_loop3A_524] {strides = array<i32>} : memref<128x128xf32, #tpu.memory_space<vmem>>, vector<1x16xf32>,
        %parallel_loop3A_526 = vector.shape_cast %parallel_loop3A_525 : vector<1x16xf32> to vector<16xf32>
        %parallel_loop3A_527 = arith.constant 11.3137083 : f32
        %parallel_loop3A_528 = vector.broadcast %parallel_loop3A_527 : f32 to vector<16xf32>
        %parallel_loop3A_529 = arith.mulf %parallel_loop3A_526, %parallel_loop3A_528 : vector<16xf32>
        %parallel_loop3A_530 = arith.constant 0 : i32
        %parallel_loop3A_531 = arith.constant 0 : i32
        %parallel_loop3A_532 = tpu.memref_slice %arg6[%parallel_loop3A_310, %parallel_loop3A_530, %parallel_loop3A_531] : memref<5x128x128xf32, #tpu.memory_space<vmem>> -> memref<1x128x128xf32, #tpu.memory_space<vmem>>
        %parallel_loop3A_533 = tpu.memref_squeeze %parallel_loop3A_532 : memref<1x128x128xf32, #tpu.memory_space<vmem>> -> memref<128x128xf32, #tpu.memory_space<vmem>>
        %parallel_loop3A_534 = arith.index_cast %parallel_loop3A_378 : i32 to index
        %parallel_loop3A_535 = arith.constant 112 : index
        %parallel_loop3A_536 = tpu.vector_load %parallel_loop3A_533[%parallel_loop3A_534, %parallel_loop3A_535] {strides = array<i32>} : memref<128x128xf32, #tpu.memory_space<vmem>>, vector<1x16xf32>,
        %parallel_loop3A_537 = vector.shape_cast %parallel_loop3A_536 : vector<1x16xf32> to vector<16xf32>
        %parallel_loop3A_538 = vector.shape_cast %parallel_loop3A_529 : vector<16xf32> to vector<1x16xf32>
        tpu.vector_store %parallel_loop3A_533[%parallel_loop3A_534, %parallel_loop3A_535], %parallel_loop3A_538 {strides = array<i32>} : memref<128x128xf32, #tpu.memory_space<vmem>>, vector<1x16xf32>,
      } {sc.loop_unroll_factor = 2 : i64, sc.parallel_access}
      %mul3A_311 = arith.constant 128 : i32
      %mul3A_312 = arith.muli %add3A_285, %mul3A_311 : i32
      %add3A_313 = arith.addi %mul3A_2, %mul3A_312 : i32
      %dma_start3A_314 = arith.constant 3 : i32
      %dma_start3A_315 = arith.constant 3 : i32
      %dma_start3A_316 = arith.constant 0 : i32
      %dma_start3A_317 = arith.constant 0 : i32
      %dma_start3A_318 = tpu.memref_slice %arg6[%dma_start3A_314, %dma_start3A_316, %dma_start3A_317] : memref<5x128x128xf32, #tpu.memory_space<vmem>> -> memref<1x128x128xf32, #tpu.memory_space<vmem>>
      %dma_start3A_319 = tpu.memref_squeeze %dma_start3A_318 : memref<1x128x128xf32, #tpu.memory_space<vmem>> -> memref<128x128xf32, #tpu.memory_space<vmem>>
      %dma_start3A_320 = arith.constant 0 : i32
      %dma_start3A_321 = tpu.memref_slice %arg4[%add3A_313, %dma_start3A_320] : memref<819200x128xf32, #tpu.memory_space<hbm>> -> memref<128x128xf32, #tpu.memory_space<hbm>>
      %dma_start3A_322 = tpu.memref_slice %arg8[%dma_start3A_315] : memref<5x!tpu.dma_semaphore, #tpu.memory_space<semaphore_mem>> -> memref<1x!tpu.dma_semaphore, #tpu.memory_space<semaphore_mem>>
      %dma_start3A_323 = tpu.memref_squeeze %dma_start3A_322 : memref<1x!tpu.dma_semaphore, #tpu.memory_space<semaphore_mem>> -> memref<!tpu.dma_semaphore, #tpu.memory_space<semaphore_mem>>
      %dma_start3A_324 = arith.constant 0 : i32
      %dma_start3A_325 = tpu.memref_slice %arg4[%add3A_313, %dma_start3A_324] : memref<819200x128xf32, #tpu.memory_space<hbm>> -> memref<128x128xf32, #tpu.memory_space<hbm>>
      %dma_start3A_326 = arith.constant 0 : i32
      %dma_start3A_327 = arith.constant 0 : i32
      %dma_start3A_328 = tpu.memref_slice %arg6[%dma_start3A_314, %dma_start3A_326, %dma_start3A_327] : memref<5x128x128xf32, #tpu.memory_space<vmem>> -> memref<1x128x128xf32, #tpu.memory_space<vmem>>
      %dma_start3A_329 = tpu.memref_squeeze %dma_start3A_328 : memref<1x128x128xf32, #tpu.memory_space<vmem>> -> memref<128x128xf32, #tpu.memory_space<vmem>>
      tpu.enqueue_dma source(%dma_start3A_329 : memref<128x128xf32, #tpu.memory_space<vmem>>) target(%dma_start3A_325 : memref<128x128xf32, #tpu.memory_space<hbm>>) target_semaphore(%dma_start3A_323 : memref<!tpu.dma_semaphore, #tpu.memory_space<semaphore_mem>>)
      %mul3A_330 = arith.constant 5 : i32
      %mul3A_331 = arith.muli %scan3A_141, %mul3A_330 : i32
      %add3A_332 = arith.constant 4 : i32
      %add3A_333 = arith.addi %mul3A_331, %add3A_332 : i32
      %add3A_334 = arith.constant 3 : i32
      %add3A_335 = arith.addi %add3A_333, %add3A_334 : i32
      %lt3A_336 = arith.constant 200 : i32
      %lt3A_337 = arith.cmpi slt, %add3A_335, %lt3A_336 : i32
      %convert_element_type3A_338 = arith.extui %lt3A_337 : i1 to i32
      %cond3A_339 = arith.constant 0 : i32
      %cond3A_340 = arith.cmpi ne, %convert_element_type3A_338, %cond3A_339 : i32
      scf.if %cond3A_340 {
        %ge3A = arith.constant 5 : i32
        %ge3A_378 = arith.cmpi sge, %add3A_335, %ge3A : i32
        %convert_element_type3A_379 = arith.extui %ge3A_378 : i1 to i32
        %cond3A_380 = arith.constant 0 : i32
        %cond3A_381 = arith.cmpi ne, %convert_element_type3A_379, %cond3A_380 : i32
        scf.if %cond3A_381 {
          %dma_wait3A_396 = arith.constant 2 : i32
          %dma_wait3A_397 = arith.constant 2 : i32
          %dma_wait3A_398 = arith.constant 0 : i32
          %dma_wait3A_399 = arith.constant 0 : i32
          %dma_wait3A_400 = tpu.memref_slice %arg6[%dma_wait3A_396, %dma_wait3A_398, %dma_wait3A_399] : memref<5x128x128xf32, #tpu.memory_space<vmem>> -> memref<1x128x128xf32, #tpu.memory_space<vmem>>
          %dma_wait3A_401 = tpu.memref_squeeze %dma_wait3A_400 : memref<1x128x128xf32, #tpu.memory_space<vmem>> -> memref<128x128xf32, #tpu.memory_space<vmem>>
          %dma_wait3A_402 = arith.constant 0 : i32
          %dma_wait3A_403 = arith.constant 0 : i32
          %dma_wait3A_404 = tpu.memref_slice %arg4[%dma_wait3A_402, %dma_wait3A_403] : memref<819200x128xf32, #tpu.memory_space<hbm>> -> memref<128x128xf32, #tpu.memory_space<hbm>>
          %dma_wait3A_405 = tpu.memref_slice %arg8[%dma_wait3A_397] : memref<5x!tpu.dma_semaphore, #tpu.memory_space<semaphore_mem>> -> memref<1x!tpu.dma_semaphore, #tpu.memory_space<semaphore_mem>>
          %dma_wait3A_406 = tpu.memref_squeeze %dma_wait3A_405 : memref<1x!tpu.dma_semaphore, #tpu.memory_space<semaphore_mem>> -> memref<!tpu.dma_semaphore, #tpu.memory_space<semaphore_mem>>
          %dma_wait3A_407 = arith.constant 0 : i32
          %dma_wait3A_408 = arith.constant 0 : i32
          %dma_wait3A_409 = tpu.memref_slice %arg4[%dma_wait3A_407, %dma_wait3A_408] : memref<819200x128xf32, #tpu.memory_space<hbm>> -> memref<128x128xf32, #tpu.memory_space<hbm>>
          %dma_wait3A_410 = arith.constant 0 : i32
          %dma_wait3A_411 = arith.constant 0 : i32
          %dma_wait3A_412 = tpu.memref_slice %arg6[%dma_wait3A_396, %dma_wait3A_410, %dma_wait3A_411] : memref<5x128x128xf32, #tpu.memory_space<vmem>> -> memref<1x128x128xf32, #tpu.memory_space<vmem>>
          %dma_wait3A_413 = tpu.memref_squeeze %dma_wait3A_412 : memref<1x128x128xf32, #tpu.memory_space<vmem>> -> memref<128x128xf32, #tpu.memory_space<vmem>>
          tpu.wait_dma2 semaphore(%dma_wait3A_406 : memref<!tpu.dma_semaphore, #tpu.memory_space<semaphore_mem>>) src(%dma_wait3A_413 : memref<128x128xf32, #tpu.memory_space<vmem>>) dst(%dma_wait3A_409 : memref<128x128xf32, #tpu.memory_space<hbm>>)
        } else {
        }
        %dma_start3A_382 = arith.constant 2 : i32
        %dma_start3A_383 = arith.constant 2 : i32
        %dma_start3A_384 = arith.constant 0 : i32
        %dma_start3A_385 = arith.constant 0 : i32
        %dma_start3A_386 = tpu.memref_slice %arg6[%dma_start3A_382, %dma_start3A_384, %dma_start3A_385] : memref<5x128x128xf32, #tpu.memory_space<vmem>> -> memref<1x128x128xf32, #tpu.memory_space<vmem>>
        %dma_start3A_387 = tpu.memref_squeeze %dma_start3A_386 : memref<1x128x128xf32, #tpu.memory_space<vmem>> -> memref<128x128xf32, #tpu.memory_space<vmem>>
        %dma_start3A_388 = arith.constant 0 : i32
        %dma_start3A_389 = tpu.memref_slice %arg5[%add3A_335, %dma_start3A_388] : memref<200x128xi32, #tpu.memory_space<vmem>> -> memref<1x128xi32, #tpu.memory_space<vmem>>
        %dma_start3A_390 = tpu.memref_squeeze %dma_start3A_389 : memref<1x128xi32, #tpu.memory_space<vmem>> -> memref<128xi32, #tpu.memory_space<vmem>>
        %dma_start3A_391 = arith.constant 0 : i32
        %dma_start3A_392 = arith.constant 0 : i32
        %dma_start3A_393 = tpu.memref_slice %arg3[%dma_start3A_391, %dma_start3A_392] : memref<1000000x128xf32, #tpu.memory_space<hbm>> -> memref<1000000x128xf32, #tpu.memory_space<hbm>>
        %dma_start3A_394 = tpu.memref_slice %arg7[%dma_start3A_383] : memref<5x!tpu.dma_semaphore, #tpu.memory_space<semaphore_mem>> -> memref<1x!tpu.dma_semaphore, #tpu.memory_space<semaphore_mem>>
        %dma_start3A_395 = tpu.memref_squeeze %dma_start3A_394 : memref<1x!tpu.dma_semaphore, #tpu.memory_space<semaphore_mem>> -> memref<!tpu.dma_semaphore, #tpu.memory_space<semaphore_mem>>
        tpu.enqueue_indirect_dma source(%dma_start3A_393 : memref<1000000x128xf32, #tpu.memory_space<hbm>>) target(%dma_start3A_387 : memref<128x128xf32, #tpu.memory_space<vmem>>) offsets(%dma_start3A_390 : memref<128xi32, #tpu.memory_space<vmem>>) semaphore(%dma_start3A_395 : memref<!tpu.dma_semaphore, #tpu.memory_space<semaphore_mem>>)
      } else {
      }
      %dma_wait3A_341 = arith.constant 4 : i32
      %dma_wait3A_342 = arith.constant 4 : i32
      %dma_wait3A_343 = arith.constant 0 : i32
      %dma_wait3A_344 = arith.constant 0 : i32
      %dma_wait3A_345 = tpu.memref_slice %arg6[%dma_wait3A_341, %dma_wait3A_343, %dma_wait3A_344] : memref<5x128x128xf32, #tpu.memory_space<vmem>> -> memref<1x128x128xf32, #tpu.memory_space<vmem>>
      %dma_wait3A_346 = tpu.memref_squeeze %dma_wait3A_345 : memref<1x128x128xf32, #tpu.memory_space<vmem>> -> memref<128x128xf32, #tpu.memory_space<vmem>>
      %dma_wait3A_347 = arith.constant 0 : i32
      %dma_wait3A_348 = tpu.memref_slice %arg5[%add3A_333, %dma_wait3A_347] : memref<200x128xi32, #tpu.memory_space<vmem>> -> memref<1x128xi32, #tpu.memory_space<vmem>>
      %dma_wait3A_349 = tpu.memref_squeeze %dma_wait3A_348 : memref<1x128xi32, #tpu.memory_space<vmem>> -> memref<128xi32, #tpu.memory_space<vmem>>
      %dma_wait3A_350 = arith.constant 0 : i32
      %dma_wait3A_351 = arith.constant 0 : i32
      %dma_wait3A_352 = tpu.memref_slice %arg3[%dma_wait3A_350, %dma_wait3A_351] : memref<1000000x128xf32, #tpu.memory_space<hbm>> -> memref<1000000x128xf32, #tpu.memory_space<hbm>>
      %dma_wait3A_353 = tpu.memref_slice %arg7[%dma_wait3A_342] : memref<5x!tpu.dma_semaphore, #tpu.memory_space<semaphore_mem>> -> memref<1x!tpu.dma_semaphore, #tpu.memory_space<semaphore_mem>>
      %dma_wait3A_354 = tpu.memref_squeeze %dma_wait3A_353 : memref<1x!tpu.dma_semaphore, #tpu.memory_space<semaphore_mem>> -> memref<!tpu.dma_semaphore, #tpu.memory_space<semaphore_mem>>
      tpu.wait_indirect_dma semaphore(%dma_wait3A_354 : memref<!tpu.dma_semaphore, #tpu.memory_space<semaphore_mem>>) src(%dma_wait3A_352 : memref<1000000x128xf32, #tpu.memory_space<hbm>>) dst(%dma_wait3A_346 : memref<128x128xf32, #tpu.memory_space<vmem>>)
      %parallel_loop3A_355 = arith.constant 0 : i32
      %parallel_loop3A_356 = arith.constant 128 : i32
      %parallel_loop3A_357 = arith.constant 1 : i32
      %parallel_loop3A_358 = arith.constant 4 : i32
      scf.for %parallel_loop3A_378 = %parallel_loop3A_355 to %parallel_loop3A_356 step %parallel_loop3A_357  : i32 {
        %parallel_loop3A_379 = arith.constant 0 : i32
        %parallel_loop3A_380 = arith.constant 0 : i32
        %parallel_loop3A_381 = tpu.memref_slice %arg6[%parallel_loop3A_358, %parallel_loop3A_379, %parallel_loop3A_380] : memref<5x128x128xf32, #tpu.memory_space<vmem>> -> memref<1x128x128xf32, #tpu.memory_space<vmem>>
        %parallel_loop3A_382 = tpu.memref_squeeze %parallel_loop3A_381 : memref<1x128x128xf32, #tpu.memory_space<vmem>> -> memref<128x128xf32, #tpu.memory_space<vmem>>
        %parallel_loop3A_383 = arith.index_cast %parallel_loop3A_378 : i32 to index
        %parallel_loop3A_384 = arith.constant 0 : index
        %parallel_loop3A_385 = tpu.vector_load %parallel_loop3A_382[%parallel_loop3A_383, %parallel_loop3A_384] {strides = array<i32>} : memref<128x128xf32, #tpu.memory_space<vmem>>, vector<1x16xf32>,
        %parallel_loop3A_386 = vector.shape_cast %parallel_loop3A_385 : vector<1x16xf32> to vector<16xf32>
        %parallel_loop3A_387 = arith.constant 11.3137083 : f32
        %parallel_loop3A_388 = vector.broadcast %parallel_loop3A_387 : f32 to vector<16xf32>
        %parallel_loop3A_389 = arith.mulf %parallel_loop3A_386, %parallel_loop3A_388 : vector<16xf32>
        %parallel_loop3A_390 = arith.constant 0 : i32
        %parallel_loop3A_391 = arith.constant 0 : i32
        %parallel_loop3A_392 = tpu.memref_slice %arg6[%parallel_loop3A_358, %parallel_loop3A_390, %parallel_loop3A_391] : memref<5x128x128xf32, #tpu.memory_space<vmem>> -> memref<1x128x128xf32, #tpu.memory_space<vmem>>
        %parallel_loop3A_393 = tpu.memref_squeeze %parallel_loop3A_392 : memref<1x128x128xf32, #tpu.memory_space<vmem>> -> memref<128x128xf32, #tpu.memory_space<vmem>>
        %parallel_loop3A_394 = arith.index_cast %parallel_loop3A_378 : i32 to index
        %parallel_loop3A_395 = arith.constant 0 : index
        %parallel_loop3A_396 = tpu.vector_load %parallel_loop3A_393[%parallel_loop3A_394, %parallel_loop3A_395] {strides = array<i32>} : memref<128x128xf32, #tpu.memory_space<vmem>>, vector<1x16xf32>,
        %parallel_loop3A_397 = vector.shape_cast %parallel_loop3A_396 : vector<1x16xf32> to vector<16xf32>
        %parallel_loop3A_398 = vector.shape_cast %parallel_loop3A_389 : vector<16xf32> to vector<1x16xf32>
        tpu.vector_store %parallel_loop3A_393[%parallel_loop3A_394, %parallel_loop3A_395], %parallel_loop3A_398 {strides = array<i32>} : memref<128x128xf32, #tpu.memory_space<vmem>>, vector<1x16xf32>,
        %parallel_loop3A_399 = arith.constant 0 : i32
        %parallel_loop3A_400 = arith.constant 0 : i32
        %parallel_loop3A_401 = tpu.memref_slice %arg6[%parallel_loop3A_358, %parallel_loop3A_399, %parallel_loop3A_400] : memref<5x128x128xf32, #tpu.memory_space<vmem>> -> memref<1x128x128xf32, #tpu.memory_space<vmem>>
        %parallel_loop3A_402 = tpu.memref_squeeze %parallel_loop3A_401 : memref<1x128x128xf32, #tpu.memory_space<vmem>> -> memref<128x128xf32, #tpu.memory_space<vmem>>
        %parallel_loop3A_403 = arith.index_cast %parallel_loop3A_378 : i32 to index
        %parallel_loop3A_404 = arith.constant 16 : index
        %parallel_loop3A_405 = tpu.vector_load %parallel_loop3A_402[%parallel_loop3A_403, %parallel_loop3A_404] {strides = array<i32>} : memref<128x128xf32, #tpu.memory_space<vmem>>, vector<1x16xf32>,
        %parallel_loop3A_406 = vector.shape_cast %parallel_loop3A_405 : vector<1x16xf32> to vector<16xf32>
        %parallel_loop3A_407 = arith.constant 11.3137083 : f32
        %parallel_loop3A_408 = vector.broadcast %parallel_loop3A_407 : f32 to vector<16xf32>
        %parallel_loop3A_409 = arith.mulf %parallel_loop3A_406, %parallel_loop3A_408 : vector<16xf32>
        %parallel_loop3A_410 = arith.constant 0 : i32
        %parallel_loop3A_411 = arith.constant 0 : i32
        %parallel_loop3A_412 = tpu.memref_slice %arg6[%parallel_loop3A_358, %parallel_loop3A_410, %parallel_loop3A_411] : memref<5x128x128xf32, #tpu.memory_space<vmem>> -> memref<1x128x128xf32, #tpu.memory_space<vmem>>
        %parallel_loop3A_413 = tpu.memref_squeeze %parallel_loop3A_412 : memref<1x128x128xf32, #tpu.memory_space<vmem>> -> memref<128x128xf32, #tpu.memory_space<vmem>>
        %parallel_loop3A_414 = arith.index_cast %parallel_loop3A_378 : i32 to index
        %parallel_loop3A_415 = arith.constant 16 : index
        %parallel_loop3A_416 = tpu.vector_load %parallel_loop3A_413[%parallel_loop3A_414, %parallel_loop3A_415] {strides = array<i32>} : memref<128x128xf32, #tpu.memory_space<vmem>>, vector<1x16xf32>,
        %parallel_loop3A_417 = vector.shape_cast %parallel_loop3A_416 : vector<1x16xf32> to vector<16xf32>
        %parallel_loop3A_418 = vector.shape_cast %parallel_loop3A_409 : vector<16xf32> to vector<1x16xf32>
        tpu.vector_store %parallel_loop3A_413[%parallel_loop3A_414, %parallel_loop3A_415], %parallel_loop3A_418 {strides = array<i32>} : memref<128x128xf32, #tpu.memory_space<vmem>>, vector<1x16xf32>,
        %parallel_loop3A_419 = arith.constant 0 : i32
        %parallel_loop3A_420 = arith.constant 0 : i32
        %parallel_loop3A_421 = tpu.memref_slice %arg6[%parallel_loop3A_358, %parallel_loop3A_419, %parallel_loop3A_420] : memref<5x128x128xf32, #tpu.memory_space<vmem>> -> memref<1x128x128xf32, #tpu.memory_space<vmem>>
        %parallel_loop3A_422 = tpu.memref_squeeze %parallel_loop3A_421 : memref<1x128x128xf32, #tpu.memory_space<vmem>> -> memref<128x128xf32, #tpu.memory_space<vmem>>
        %parallel_loop3A_423 = arith.index_cast %parallel_loop3A_378 : i32 to index
        %parallel_loop3A_424 = arith.constant 32 : index
        %parallel_loop3A_425 = tpu.vector_load %parallel_loop3A_422[%parallel_loop3A_423, %parallel_loop3A_424] {strides = array<i32>} : memref<128x128xf32, #tpu.memory_space<vmem>>, vector<1x16xf32>,
        %parallel_loop3A_426 = vector.shape_cast %parallel_loop3A_425 : vector<1x16xf32> to vector<16xf32>
        %parallel_loop3A_427 = arith.constant 11.3137083 : f32
        %parallel_loop3A_428 = vector.broadcast %parallel_loop3A_427 : f32 to vector<16xf32>
        %parallel_loop3A_429 = arith.mulf %parallel_loop3A_426, %parallel_loop3A_428 : vector<16xf32>
        %parallel_loop3A_430 = arith.constant 0 : i32
        %parallel_loop3A_431 = arith.constant 0 : i32
        %parallel_loop3A_432 = tpu.memref_slice %arg6[%parallel_loop3A_358, %parallel_loop3A_430, %parallel_loop3A_431] : memref<5x128x128xf32, #tpu.memory_space<vmem>> -> memref<1x128x128xf32, #tpu.memory_space<vmem>>
        %parallel_loop3A_433 = tpu.memref_squeeze %parallel_loop3A_432 : memref<1x128x128xf32, #tpu.memory_space<vmem>> -> memref<128x128xf32, #tpu.memory_space<vmem>>
        %parallel_loop3A_434 = arith.index_cast %parallel_loop3A_378 : i32 to index
        %parallel_loop3A_435 = arith.constant 32 : index
        %parallel_loop3A_436 = tpu.vector_load %parallel_loop3A_433[%parallel_loop3A_434, %parallel_loop3A_435] {strides = array<i32>} : memref<128x128xf32, #tpu.memory_space<vmem>>, vector<1x16xf32>,
        %parallel_loop3A_437 = vector.shape_cast %parallel_loop3A_436 : vector<1x16xf32> to vector<16xf32>
        %parallel_loop3A_438 = vector.shape_cast %parallel_loop3A_429 : vector<16xf32> to vector<1x16xf32>
        tpu.vector_store %parallel_loop3A_433[%parallel_loop3A_434, %parallel_loop3A_435], %parallel_loop3A_438 {strides = array<i32>} : memref<128x128xf32, #tpu.memory_space<vmem>>, vector<1x16xf32>,
        %parallel_loop3A_439 = arith.constant 0 : i32
        %parallel_loop3A_440 = arith.constant 0 : i32
        %parallel_loop3A_441 = tpu.memref_slice %arg6[%parallel_loop3A_358, %parallel_loop3A_439, %parallel_loop3A_440] : memref<5x128x128xf32, #tpu.memory_space<vmem>> -> memref<1x128x128xf32, #tpu.memory_space<vmem>>
        %parallel_loop3A_442 = tpu.memref_squeeze %parallel_loop3A_441 : memref<1x128x128xf32, #tpu.memory_space<vmem>> -> memref<128x128xf32, #tpu.memory_space<vmem>>
        %parallel_loop3A_443 = arith.index_cast %parallel_loop3A_378 : i32 to index
        %parallel_loop3A_444 = arith.constant 48 : index
        %parallel_loop3A_445 = tpu.vector_load %parallel_loop3A_442[%parallel_loop3A_443, %parallel_loop3A_444] {strides = array<i32>} : memref<128x128xf32, #tpu.memory_space<vmem>>, vector<1x16xf32>,
        %parallel_loop3A_446 = vector.shape_cast %parallel_loop3A_445 : vector<1x16xf32> to vector<16xf32>
        %parallel_loop3A_447 = arith.constant 11.3137083 : f32
        %parallel_loop3A_448 = vector.broadcast %parallel_loop3A_447 : f32 to vector<16xf32>
        %parallel_loop3A_449 = arith.mulf %parallel_loop3A_446, %parallel_loop3A_448 : vector<16xf32>
        %parallel_loop3A_450 = arith.constant 0 : i32
        %parallel_loop3A_451 = arith.constant 0 : i32
        %parallel_loop3A_452 = tpu.memref_slice %arg6[%parallel_loop3A_358, %parallel_loop3A_450, %parallel_loop3A_451] : memref<5x128x128xf32, #tpu.memory_space<vmem>> -> memref<1x128x128xf32, #tpu.memory_space<vmem>>
        %parallel_loop3A_453 = tpu.memref_squeeze %parallel_loop3A_452 : memref<1x128x128xf32, #tpu.memory_space<vmem>> -> memref<128x128xf32, #tpu.memory_space<vmem>>
        %parallel_loop3A_454 = arith.index_cast %parallel_loop3A_378 : i32 to index
        %parallel_loop3A_455 = arith.constant 48 : index
        %parallel_loop3A_456 = tpu.vector_load %parallel_loop3A_453[%parallel_loop3A_454, %parallel_loop3A_455] {strides = array<i32>} : memref<128x128xf32, #tpu.memory_space<vmem>>, vector<1x16xf32>,
        %parallel_loop3A_457 = vector.shape_cast %parallel_loop3A_456 : vector<1x16xf32> to vector<16xf32>
        %parallel_loop3A_458 = vector.shape_cast %parallel_loop3A_449 : vector<16xf32> to vector<1x16xf32>
        tpu.vector_store %parallel_loop3A_453[%parallel_loop3A_454, %parallel_loop3A_455], %parallel_loop3A_458 {strides = array<i32>} : memref<128x128xf32, #tpu.memory_space<vmem>>, vector<1x16xf32>,
        %parallel_loop3A_459 = arith.constant 0 : i32
        %parallel_loop3A_460 = arith.constant 0 : i32
        %parallel_loop3A_461 = tpu.memref_slice %arg6[%parallel_loop3A_358, %parallel_loop3A_459, %parallel_loop3A_460] : memref<5x128x128xf32, #tpu.memory_space<vmem>> -> memref<1x128x128xf32, #tpu.memory_space<vmem>>
        %parallel_loop3A_462 = tpu.memref_squeeze %parallel_loop3A_461 : memref<1x128x128xf32, #tpu.memory_space<vmem>> -> memref<128x128xf32, #tpu.memory_space<vmem>>
        %parallel_loop3A_463 = arith.index_cast %parallel_loop3A_378 : i32 to index
        %parallel_loop3A_464 = arith.constant 64 : index
        %parallel_loop3A_465 = tpu.vector_load %parallel_loop3A_462[%parallel_loop3A_463, %parallel_loop3A_464] {strides = array<i32>} : memref<128x128xf32, #tpu.memory_space<vmem>>, vector<1x16xf32>,
        %parallel_loop3A_466 = vector.shape_cast %parallel_loop3A_465 : vector<1x16xf32> to vector<16xf32>
        %parallel_loop3A_467 = arith.constant 11.3137083 : f32
        %parallel_loop3A_468 = vector.broadcast %parallel_loop3A_467 : f32 to vector<16xf32>
        %parallel_loop3A_469 = arith.mulf %parallel_loop3A_466, %parallel_loop3A_468 : vector<16xf32>
        %parallel_loop3A_470 = arith.constant 0 : i32
        %parallel_loop3A_471 = arith.constant 0 : i32
        %parallel_loop3A_472 = tpu.memref_slice %arg6[%parallel_loop3A_358, %parallel_loop3A_470, %parallel_loop3A_471] : memref<5x128x128xf32, #tpu.memory_space<vmem>> -> memref<1x128x128xf32, #tpu.memory_space<vmem>>
        %parallel_loop3A_473 = tpu.memref_squeeze %parallel_loop3A_472 : memref<1x128x128xf32, #tpu.memory_space<vmem>> -> memref<128x128xf32, #tpu.memory_space<vmem>>
        %parallel_loop3A_474 = arith.index_cast %parallel_loop3A_378 : i32 to index
        %parallel_loop3A_475 = arith.constant 64 : index
        %parallel_loop3A_476 = tpu.vector_load %parallel_loop3A_473[%parallel_loop3A_474, %parallel_loop3A_475] {strides = array<i32>} : memref<128x128xf32, #tpu.memory_space<vmem>>, vector<1x16xf32>,
        %parallel_loop3A_477 = vector.shape_cast %parallel_loop3A_476 : vector<1x16xf32> to vector<16xf32>
        %parallel_loop3A_478 = vector.shape_cast %parallel_loop3A_469 : vector<16xf32> to vector<1x16xf32>
        tpu.vector_store %parallel_loop3A_473[%parallel_loop3A_474, %parallel_loop3A_475], %parallel_loop3A_478 {strides = array<i32>} : memref<128x128xf32, #tpu.memory_space<vmem>>, vector<1x16xf32>,
        %parallel_loop3A_479 = arith.constant 0 : i32
        %parallel_loop3A_480 = arith.constant 0 : i32
        %parallel_loop3A_481 = tpu.memref_slice %arg6[%parallel_loop3A_358, %parallel_loop3A_479, %parallel_loop3A_480] : memref<5x128x128xf32, #tpu.memory_space<vmem>> -> memref<1x128x128xf32, #tpu.memory_space<vmem>>
        %parallel_loop3A_482 = tpu.memref_squeeze %parallel_loop3A_481 : memref<1x128x128xf32, #tpu.memory_space<vmem>> -> memref<128x128xf32, #tpu.memory_space<vmem>>
        %parallel_loop3A_483 = arith.index_cast %parallel_loop3A_378 : i32 to index
        %parallel_loop3A_484 = arith.constant 80 : index
        %parallel_loop3A_485 = tpu.vector_load %parallel_loop3A_482[%parallel_loop3A_483, %parallel_loop3A_484] {strides = array<i32>} : memref<128x128xf32, #tpu.memory_space<vmem>>, vector<1x16xf32>,
        %parallel_loop3A_486 = vector.shape_cast %parallel_loop3A_485 : vector<1x16xf32> to vector<16xf32>
        %parallel_loop3A_487 = arith.constant 11.3137083 : f32
        %parallel_loop3A_488 = vector.broadcast %parallel_loop3A_487 : f32 to vector<16xf32>
        %parallel_loop3A_489 = arith.mulf %parallel_loop3A_486, %parallel_loop3A_488 : vector<16xf32>
        %parallel_loop3A_490 = arith.constant 0 : i32
        %parallel_loop3A_491 = arith.constant 0 : i32
        %parallel_loop3A_492 = tpu.memref_slice %arg6[%parallel_loop3A_358, %parallel_loop3A_490, %parallel_loop3A_491] : memref<5x128x128xf32, #tpu.memory_space<vmem>> -> memref<1x128x128xf32, #tpu.memory_space<vmem>>
        %parallel_loop3A_493 = tpu.memref_squeeze %parallel_loop3A_492 : memref<1x128x128xf32, #tpu.memory_space<vmem>> -> memref<128x128xf32, #tpu.memory_space<vmem>>
        %parallel_loop3A_494 = arith.index_cast %parallel_loop3A_378 : i32 to index
        %parallel_loop3A_495 = arith.constant 80 : index
        %parallel_loop3A_496 = tpu.vector_load %parallel_loop3A_493[%parallel_loop3A_494, %parallel_loop3A_495] {strides = array<i32>} : memref<128x128xf32, #tpu.memory_space<vmem>>, vector<1x16xf32>,
        %parallel_loop3A_497 = vector.shape_cast %parallel_loop3A_496 : vector<1x16xf32> to vector<16xf32>
        %parallel_loop3A_498 = vector.shape_cast %parallel_loop3A_489 : vector<16xf32> to vector<1x16xf32>
        tpu.vector_store %parallel_loop3A_493[%parallel_loop3A_494, %parallel_loop3A_495], %parallel_loop3A_498 {strides = array<i32>} : memref<128x128xf32, #tpu.memory_space<vmem>>, vector<1x16xf32>,
        %parallel_loop3A_499 = arith.constant 0 : i32
        %parallel_loop3A_500 = arith.constant 0 : i32
        %parallel_loop3A_501 = tpu.memref_slice %arg6[%parallel_loop3A_358, %parallel_loop3A_499, %parallel_loop3A_500] : memref<5x128x128xf32, #tpu.memory_space<vmem>> -> memref<1x128x128xf32, #tpu.memory_space<vmem>>
        %parallel_loop3A_502 = tpu.memref_squeeze %parallel_loop3A_501 : memref<1x128x128xf32, #tpu.memory_space<vmem>> -> memref<128x128xf32, #tpu.memory_space<vmem>>
        %parallel_loop3A_503 = arith.index_cast %parallel_loop3A_378 : i32 to index
        %parallel_loop3A_504 = arith.constant 96 : index
        %parallel_loop3A_505 = tpu.vector_load %parallel_loop3A_502[%parallel_loop3A_503, %parallel_loop3A_504] {strides = array<i32>} : memref<128x128xf32, #tpu.memory_space<vmem>>, vector<1x16xf32>,
        %parallel_loop3A_506 = vector.shape_cast %parallel_loop3A_505 : vector<1x16xf32> to vector<16xf32>
        %parallel_loop3A_507 = arith.constant 11.3137083 : f32
        %parallel_loop3A_508 = vector.broadcast %parallel_loop3A_507 : f32 to vector<16xf32>
        %parallel_loop3A_509 = arith.mulf %parallel_loop3A_506, %parallel_loop3A_508 : vector<16xf32>
        %parallel_loop3A_510 = arith.constant 0 : i32
        %parallel_loop3A_511 = arith.constant 0 : i32
        %parallel_loop3A_512 = tpu.memref_slice %arg6[%parallel_loop3A_358, %parallel_loop3A_510, %parallel_loop3A_511] : memref<5x128x128xf32, #tpu.memory_space<vmem>> -> memref<1x128x128xf32, #tpu.memory_space<vmem>>
        %parallel_loop3A_513 = tpu.memref_squeeze %parallel_loop3A_512 : memref<1x128x128xf32, #tpu.memory_space<vmem>> -> memref<128x128xf32, #tpu.memory_space<vmem>>
        %parallel_loop3A_514 = arith.index_cast %parallel_loop3A_378 : i32 to index
        %parallel_loop3A_515 = arith.constant 96 : index
        %parallel_loop3A_516 = tpu.vector_load %parallel_loop3A_513[%parallel_loop3A_514, %parallel_loop3A_515] {strides = array<i32>} : memref<128x128xf32, #tpu.memory_space<vmem>>, vector<1x16xf32>,
        %parallel_loop3A_517 = vector.shape_cast %parallel_loop3A_516 : vector<1x16xf32> to vector<16xf32>
        %parallel_loop3A_518 = vector.shape_cast %parallel_loop3A_509 : vector<16xf32> to vector<1x16xf32>
        tpu.vector_store %parallel_loop3A_513[%parallel_loop3A_514, %parallel_loop3A_515], %parallel_loop3A_518 {strides = array<i32>} : memref<128x128xf32, #tpu.memory_space<vmem>>, vector<1x16xf32>,
        %parallel_loop3A_519 = arith.constant 0 : i32
        %parallel_loop3A_520 = arith.constant 0 : i32
        %parallel_loop3A_521 = tpu.memref_slice %arg6[%parallel_loop3A_358, %parallel_loop3A_519, %parallel_loop3A_520] : memref<5x128x128xf32, #tpu.memory_space<vmem>> -> memref<1x128x128xf32, #tpu.memory_space<vmem>>
        %parallel_loop3A_522 = tpu.memref_squeeze %parallel_loop3A_521 : memref<1x128x128xf32, #tpu.memory_space<vmem>> -> memref<128x128xf32, #tpu.memory_space<vmem>>
        %parallel_loop3A_523 = arith.index_cast %parallel_loop3A_378 : i32 to index
        %parallel_loop3A_524 = arith.constant 112 : index
        %parallel_loop3A_525 = tpu.vector_load %parallel_loop3A_522[%parallel_loop3A_523, %parallel_loop3A_524] {strides = array<i32>} : memref<128x128xf32, #tpu.memory_space<vmem>>, vector<1x16xf32>,
        %parallel_loop3A_526 = vector.shape_cast %parallel_loop3A_525 : vector<1x16xf32> to vector<16xf32>
        %parallel_loop3A_527 = arith.constant 11.3137083 : f32
        %parallel_loop3A_528 = vector.broadcast %parallel_loop3A_527 : f32 to vector<16xf32>
        %parallel_loop3A_529 = arith.mulf %parallel_loop3A_526, %parallel_loop3A_528 : vector<16xf32>
        %parallel_loop3A_530 = arith.constant 0 : i32
        %parallel_loop3A_531 = arith.constant 0 : i32
        %parallel_loop3A_532 = tpu.memref_slice %arg6[%parallel_loop3A_358, %parallel_loop3A_530, %parallel_loop3A_531] : memref<5x128x128xf32, #tpu.memory_space<vmem>> -> memref<1x128x128xf32, #tpu.memory_space<vmem>>
        %parallel_loop3A_533 = tpu.memref_squeeze %parallel_loop3A_532 : memref<1x128x128xf32, #tpu.memory_space<vmem>> -> memref<128x128xf32, #tpu.memory_space<vmem>>
        %parallel_loop3A_534 = arith.index_cast %parallel_loop3A_378 : i32 to index
        %parallel_loop3A_535 = arith.constant 112 : index
        %parallel_loop3A_536 = tpu.vector_load %parallel_loop3A_533[%parallel_loop3A_534, %parallel_loop3A_535] {strides = array<i32>} : memref<128x128xf32, #tpu.memory_space<vmem>>, vector<1x16xf32>,
        %parallel_loop3A_537 = vector.shape_cast %parallel_loop3A_536 : vector<1x16xf32> to vector<16xf32>
        %parallel_loop3A_538 = vector.shape_cast %parallel_loop3A_529 : vector<16xf32> to vector<1x16xf32>
        tpu.vector_store %parallel_loop3A_533[%parallel_loop3A_534, %parallel_loop3A_535], %parallel_loop3A_538 {strides = array<i32>} : memref<128x128xf32, #tpu.memory_space<vmem>>, vector<1x16xf32>,
      } {sc.loop_unroll_factor = 2 : i64, sc.parallel_access}
      %mul3A_359 = arith.constant 128 : i32
      %mul3A_360 = arith.muli %add3A_333, %mul3A_359 : i32
      %add3A_361 = arith.addi %mul3A_2, %mul3A_360 : i32
      %dma_start3A_362 = arith.constant 4 : i32
      %dma_start3A_363 = arith.constant 4 : i32
      %dma_start3A_364 = arith.constant 0 : i32
      %dma_start3A_365 = arith.constant 0 : i32
      %dma_start3A_366 = tpu.memref_slice %arg6[%dma_start3A_362, %dma_start3A_364, %dma_start3A_365] : memref<5x128x128xf32, #tpu.memory_space<vmem>> -> memref<1x128x128xf32, #tpu.memory_space<vmem>>
      %dma_start3A_367 = tpu.memref_squeeze %dma_start3A_366 : memref<1x128x128xf32, #tpu.memory_space<vmem>> -> memref<128x128xf32, #tpu.memory_space<vmem>>
      %dma_start3A_368 = arith.constant 0 : i32
      %dma_start3A_369 = tpu.memref_slice %arg4[%add3A_361, %dma_start3A_368] : memref<819200x128xf32, #tpu.memory_space<hbm>> -> memref<128x128xf32, #tpu.memory_space<hbm>>
      %dma_start3A_370 = tpu.memref_slice %arg8[%dma_start3A_363] : memref<5x!tpu.dma_semaphore, #tpu.memory_space<semaphore_mem>> -> memref<1x!tpu.dma_semaphore, #tpu.memory_space<semaphore_mem>>
      %dma_start3A_371 = tpu.memref_squeeze %dma_start3A_370 : memref<1x!tpu.dma_semaphore, #tpu.memory_space<semaphore_mem>> -> memref<!tpu.dma_semaphore, #tpu.memory_space<semaphore_mem>>
      %dma_start3A_372 = arith.constant 0 : i32
      %dma_start3A_373 = tpu.memref_slice %arg4[%add3A_361, %dma_start3A_372] : memref<819200x128xf32, #tpu.memory_space<hbm>> -> memref<128x128xf32, #tpu.memory_space<hbm>>
      %dma_start3A_374 = arith.constant 0 : i32
      %dma_start3A_375 = arith.constant 0 : i32
      %dma_start3A_376 = tpu.memref_slice %arg6[%dma_start3A_362, %dma_start3A_374, %dma_start3A_375] : memref<5x128x128xf32, #tpu.memory_space<vmem>> -> memref<1x128x128xf32, #tpu.memory_space<vmem>>
      %dma_start3A_377 = tpu.memref_squeeze %dma_start3A_376 : memref<1x128x128xf32, #tpu.memory_space<vmem>> -> memref<128x128xf32, #tpu.memory_space<vmem>>
      tpu.enqueue_dma source(%dma_start3A_377 : memref<128x128xf32, #tpu.memory_space<vmem>>) target(%dma_start3A_373 : memref<128x128xf32, #tpu.memory_space<hbm>>) target_semaphore(%dma_start3A_371 : memref<!tpu.dma_semaphore, #tpu.memory_space<semaphore_mem>>)
    }
    %scan3A_51 = arith.constant 40 : i32
    %dma_wait3A = arith.constant 0 : i32
    %dma_wait3A_52 = arith.constant 0 : i32
    %dma_wait3A_53 = arith.constant 0 : i32
    %dma_wait3A_54 = arith.constant 0 : i32
    %dma_wait3A_55 = tpu.memref_slice %arg6[%dma_wait3A, %dma_wait3A_53, %dma_wait3A_54] : memref<5x128x128xf32, #tpu.memory_space<vmem>> -> memref<1x128x128xf32, #tpu.memory_space<vmem>>
    %dma_wait3A_56 = tpu.memref_squeeze %dma_wait3A_55 : memref<1x128x128xf32, #tpu.memory_space<vmem>> -> memref<128x128xf32, #tpu.memory_space<vmem>>
    %dma_wait3A_57 = arith.constant 0 : i32
    %dma_wait3A_58 = arith.constant 0 : i32
    %dma_wait3A_59 = tpu.memref_slice %arg4[%dma_wait3A_57, %dma_wait3A_58] : memref<819200x128xf32, #tpu.memory_space<hbm>> -> memref<128x128xf32, #tpu.memory_space<hbm>>
    %dma_wait3A_60 = tpu.memref_slice %arg8[%dma_wait3A_52] : memref<5x!tpu.dma_semaphore, #tpu.memory_space<semaphore_mem>> -> memref<1x!tpu.dma_semaphore, #tpu.memory_space<semaphore_mem>>
    %dma_wait3A_61 = tpu.memref_squeeze %dma_wait3A_60 : memref<1x!tpu.dma_semaphore, #tpu.memory_space<semaphore_mem>> -> memref<!tpu.dma_semaphore, #tpu.memory_space<semaphore_mem>>
    %dma_wait3A_62 = arith.constant 0 : i32
    %dma_wait3A_63 = arith.constant 0 : i32
    %dma_wait3A_64 = tpu.memref_slice %arg4[%dma_wait3A_62, %dma_wait3A_63] : memref<819200x128xf32, #tpu.memory_space<hbm>> -> memref<128x128xf32, #tpu.memory_space<hbm>>
    %dma_wait3A_65 = arith.constant 0 : i32
    %dma_wait3A_66 = arith.constant 0 : i32
    %dma_wait3A_67 = tpu.memref_slice %arg6[%dma_wait3A, %dma_wait3A_65, %dma_wait3A_66] : memref<5x128x128xf32, #tpu.memory_space<vmem>> -> memref<1x128x128xf32, #tpu.memory_space<vmem>>
    %dma_wait3A_68 = tpu.memref_squeeze %dma_wait3A_67 : memref<1x128x128xf32, #tpu.memory_space<vmem>> -> memref<128x128xf32, #tpu.memory_space<vmem>>
    tpu.wait_dma2 semaphore(%dma_wait3A_61 : memref<!tpu.dma_semaphore, #tpu.memory_space<semaphore_mem>>) src(%dma_wait3A_68 : memref<128x128xf32, #tpu.memory_space<vmem>>) dst(%dma_wait3A_64 : memref<128x128xf32, #tpu.memory_space<hbm>>)
    %dma_wait3A_69 = arith.constant 1 : i32
    %dma_wait3A_70 = arith.constant 1 : i32
    %dma_wait3A_71 = arith.constant 0 : i32
    %dma_wait3A_72 = arith.constant 0 : i32
    %dma_wait3A_73 = tpu.memref_slice %arg6[%dma_wait3A_69, %dma_wait3A_71, %dma_wait3A_72] : memref<5x128x128xf32, #tpu.memory_space<vmem>> -> memref<1x128x128xf32, #tpu.memory_space<vmem>>
    %dma_wait3A_74 = tpu.memref_squeeze %dma_wait3A_73 : memref<1x128x128xf32, #tpu.memory_space<vmem>> -> memref<128x128xf32, #tpu.memory_space<vmem>>
    %dma_wait3A_75 = arith.constant 0 : i32
    %dma_wait3A_76 = arith.constant 0 : i32
    %dma_wait3A_77 = tpu.memref_slice %arg4[%dma_wait3A_75, %dma_wait3A_76] : memref<819200x128xf32, #tpu.memory_space<hbm>> -> memref<128x128xf32, #tpu.memory_space<hbm>>
    %dma_wait3A_78 = tpu.memref_slice %arg8[%dma_wait3A_70] : memref<5x!tpu.dma_semaphore, #tpu.memory_space<semaphore_mem>> -> memref<1x!tpu.dma_semaphore, #tpu.memory_space<semaphore_mem>>
    %dma_wait3A_79 = tpu.memref_squeeze %dma_wait3A_78 : memref<1x!tpu.dma_semaphore, #tpu.memory_space<semaphore_mem>> -> memref<!tpu.dma_semaphore, #tpu.memory_space<semaphore_mem>>
    %dma_wait3A_80 = arith.constant 0 : i32
    %dma_wait3A_81 = arith.constant 0 : i32
    %dma_wait3A_82 = tpu.memref_slice %arg4[%dma_wait3A_80, %dma_wait3A_81] : memref<819200x128xf32, #tpu.memory_space<hbm>> -> memref<128x128xf32, #tpu.memory_space<hbm>>
    %dma_wait3A_83 = arith.constant 0 : i32
    %dma_wait3A_84 = arith.constant 0 : i32
    %dma_wait3A_85 = tpu.memref_slice %arg6[%dma_wait3A_69, %dma_wait3A_83, %dma_wait3A_84] : memref<5x128x128xf32, #tpu.memory_space<vmem>> -> memref<1x128x128xf32, #tpu.memory_space<vmem>>
    %dma_wait3A_86 = tpu.memref_squeeze %dma_wait3A_85 : memref<1x128x128xf32, #tpu.memory_space<vmem>> -> memref<128x128xf32, #tpu.memory_space<vmem>>
    tpu.wait_dma2 semaphore(%dma_wait3A_79 : memref<!tpu.dma_semaphore, #tpu.memory_space<semaphore_mem>>) src(%dma_wait3A_86 : memref<128x128xf32, #tpu.memory_space<vmem>>) dst(%dma_wait3A_82 : memref<128x128xf32, #tpu.memory_space<hbm>>)
    %dma_wait3A_87 = arith.constant 2 : i32
    %dma_wait3A_88 = arith.constant 2 : i32
    %dma_wait3A_89 = arith.constant 0 : i32
    %dma_wait3A_90 = arith.constant 0 : i32
    %dma_wait3A_91 = tpu.memref_slice %arg6[%dma_wait3A_87, %dma_wait3A_89, %dma_wait3A_90] : memref<5x128x128xf32, #tpu.memory_space<vmem>> -> memref<1x128x128xf32, #tpu.memory_space<vmem>>
    %dma_wait3A_92 = tpu.memref_squeeze %dma_wait3A_91 : memref<1x128x128xf32, #tpu.memory_space<vmem>> -> memref<128x128xf32, #tpu.memory_space<vmem>>
    %dma_wait3A_93 = arith.constant 0 : i32
    %dma_wait3A_94 = arith.constant 0 : i32
    %dma_wait3A_95 = tpu.memref_slice %arg4[%dma_wait3A_93, %dma_wait3A_94] : memref<819200x128xf32, #tpu.memory_space<hbm>> -> memref<128x128xf32, #tpu.memory_space<hbm>>
    %dma_wait3A_96 = tpu.memref_slice %arg8[%dma_wait3A_88] : memref<5x!tpu.dma_semaphore, #tpu.memory_space<semaphore_mem>> -> memref<1x!tpu.dma_semaphore, #tpu.memory_space<semaphore_mem>>
    %dma_wait3A_97 = tpu.memref_squeeze %dma_wait3A_96 : memref<1x!tpu.dma_semaphore, #tpu.memory_space<semaphore_mem>> -> memref<!tpu.dma_semaphore, #tpu.memory_space<semaphore_mem>>
    %dma_wait3A_98 = arith.constant 0 : i32
    %dma_wait3A_99 = arith.constant 0 : i32
    %dma_wait3A_100 = tpu.memref_slice %arg4[%dma_wait3A_98, %dma_wait3A_99] : memref<819200x128xf32, #tpu.memory_space<hbm>> -> memref<128x128xf32, #tpu.memory_space<hbm>>
    %dma_wait3A_101 = arith.constant 0 : i32
    %dma_wait3A_102 = arith.constant 0 : i32
    %dma_wait3A_103 = tpu.memref_slice %arg6[%dma_wait3A_87, %dma_wait3A_101, %dma_wait3A_102] : memref<5x128x128xf32, #tpu.memory_space<vmem>> -> memref<1x128x128xf32, #tpu.memory_space<vmem>>
    %dma_wait3A_104 = tpu.memref_squeeze %dma_wait3A_103 : memref<1x128x128xf32, #tpu.memory_space<vmem>> -> memref<128x128xf32, #tpu.memory_space<vmem>>
    tpu.wait_dma2 semaphore(%dma_wait3A_97 : memref<!tpu.dma_semaphore, #tpu.memory_space<semaphore_mem>>) src(%dma_wait3A_104 : memref<128x128xf32, #tpu.memory_space<vmem>>) dst(%dma_wait3A_100 : memref<128x128xf32, #tpu.memory_space<hbm>>)
    %dma_wait3A_105 = arith.constant 3 : i32
    %dma_wait3A_106 = arith.constant 3 : i32
    %dma_wait3A_107 = arith.constant 0 : i32
    %dma_wait3A_108 = arith.constant 0 : i32
    %dma_wait3A_109 = tpu.memref_slice %arg6[%dma_wait3A_105, %dma_wait3A_107, %dma_wait3A_108] : memref<5x128x128xf32, #tpu.memory_space<vmem>> -> memref<1x128x128xf32, #tpu.memory_space<vmem>>
    %dma_wait3A_110 = tpu.memref_squeeze %dma_wait3A_109 : memref<1x128x128xf32, #tpu.memory_space<vmem>> -> memref<128x128xf32, #tpu.memory_space<vmem>>
    %dma_wait3A_111 = arith.constant 0 : i32
    %dma_wait3A_112 = arith.constant 0 : i32
    %dma_wait3A_113 = tpu.memref_slice %arg4[%dma_wait3A_111, %dma_wait3A_112] : memref<819200x128xf32, #tpu.memory_space<hbm>> -> memref<128x128xf32, #tpu.memory_space<hbm>>
    %dma_wait3A_114 = tpu.memref_slice %arg8[%dma_wait3A_106] : memref<5x!tpu.dma_semaphore, #tpu.memory_space<semaphore_mem>> -> memref<1x!tpu.dma_semaphore, #tpu.memory_space<semaphore_mem>>
    %dma_wait3A_115 = tpu.memref_squeeze %dma_wait3A_114 : memref<1x!tpu.dma_semaphore, #tpu.memory_space<semaphore_mem>> -> memref<!tpu.dma_semaphore, #tpu.memory_space<semaphore_mem>>
    %dma_wait3A_116 = arith.constant 0 : i32
    %dma_wait3A_117 = arith.constant 0 : i32
    %dma_wait3A_118 = tpu.memref_slice %arg4[%dma_wait3A_116, %dma_wait3A_117] : memref<819200x128xf32, #tpu.memory_space<hbm>> -> memref<128x128xf32, #tpu.memory_space<hbm>>
    %dma_wait3A_119 = arith.constant 0 : i32
    %dma_wait3A_120 = arith.constant 0 : i32
    %dma_wait3A_121 = tpu.memref_slice %arg6[%dma_wait3A_105, %dma_wait3A_119, %dma_wait3A_120] : memref<5x128x128xf32, #tpu.memory_space<vmem>> -> memref<1x128x128xf32, #tpu.memory_space<vmem>>
    %dma_wait3A_122 = tpu.memref_squeeze %dma_wait3A_121 : memref<1x128x128xf32, #tpu.memory_space<vmem>> -> memref<128x128xf32, #tpu.memory_space<vmem>>
    tpu.wait_dma2 semaphore(%dma_wait3A_115 : memref<!tpu.dma_semaphore, #tpu.memory_space<semaphore_mem>>) src(%dma_wait3A_122 : memref<128x128xf32, #tpu.memory_space<vmem>>) dst(%dma_wait3A_118 : memref<128x128xf32, #tpu.memory_space<hbm>>)
    %dma_wait3A_123 = arith.constant 4 : i32
    %dma_wait3A_124 = arith.constant 4 : i32
    %dma_wait3A_125 = arith.constant 0 : i32
    %dma_wait3A_126 = arith.constant 0 : i32
    %dma_wait3A_127 = tpu.memref_slice %arg6[%dma_wait3A_123, %dma_wait3A_125, %dma_wait3A_126] : memref<5x128x128xf32, #tpu.memory_space<vmem>> -> memref<1x128x128xf32, #tpu.memory_space<vmem>>
    %dma_wait3A_128 = tpu.memref_squeeze %dma_wait3A_127 : memref<1x128x128xf32, #tpu.memory_space<vmem>> -> memref<128x128xf32, #tpu.memory_space<vmem>>
    %dma_wait3A_129 = arith.constant 0 : i32
    %dma_wait3A_130 = arith.constant 0 : i32
    %dma_wait3A_131 = tpu.memref_slice %arg4[%dma_wait3A_129, %dma_wait3A_130] : memref<819200x128xf32, #tpu.memory_space<hbm>> -> memref<128x128xf32, #tpu.memory_space<hbm>>
    %dma_wait3A_132 = tpu.memref_slice %arg8[%dma_wait3A_124] : memref<5x!tpu.dma_semaphore, #tpu.memory_space<semaphore_mem>> -> memref<1x!tpu.dma_semaphore, #tpu.memory_space<semaphore_mem>>
    %dma_wait3A_133 = tpu.memref_squeeze %dma_wait3A_132 : memref<1x!tpu.dma_semaphore, #tpu.memory_space<semaphore_mem>> -> memref<!tpu.dma_semaphore, #tpu.memory_space<semaphore_mem>>
    %dma_wait3A_134 = arith.constant 0 : i32
    %dma_wait3A_135 = arith.constant 0 : i32
    %dma_wait3A_136 = tpu.memref_slice %arg4[%dma_wait3A_134, %dma_wait3A_135] : memref<819200x128xf32, #tpu.memory_space<hbm>> -> memref<128x128xf32, #tpu.memory_space<hbm>>
    %dma_wait3A_137 = arith.constant 0 : i32
    %dma_wait3A_138 = arith.constant 0 : i32
    %dma_wait3A_139 = tpu.memref_slice %arg6[%dma_wait3A_123, %dma_wait3A_137, %dma_wait3A_138] : memref<5x128x128xf32, #tpu.memory_space<vmem>> -> memref<1x128x128xf32, #tpu.memory_space<vmem>>
    %dma_wait3A_140 = tpu.memref_squeeze %dma_wait3A_139 : memref<1x128x128xf32, #tpu.memory_space<vmem>> -> memref<128x128xf32, #tpu.memory_space<vmem>>
    tpu.wait_dma2 semaphore(%dma_wait3A_133 : memref<!tpu.dma_semaphore, #tpu.memory_space<semaphore_mem>>) src(%dma_wait3A_140 : memref<128x128xf32, #tpu.memory_space<vmem>>) dst(%dma_wait3A_136 : memref<128x128xf32, #tpu.memory_space<hbm>>)
    return
  }
}

</mosaic_0001>

<sc_bundles>
// kernel: kernel.3.cloned.1.call-start
scs
__scs_entry_jumppad:
0x0: {  	(pc) =	sbr.rel $0x88, $3  }
0x1: {  	(tag) =	ssettag $0x0;
	lr =	simm.s32 $0x1  }
0x2: {  	[smem:$0x3F9F] =	sst lr;
	_ =	strace $0xD0000000  }
0x3: {  	_ = 	snop  }
0x4: {  	_ = 	snop  }
0x5: {  	_ = 	snop  }
0x6: {  	_ = 	snop  }
0x7: {  	_ = 	snop  }
__scs_overlays_trampoline_lowered:
0x8: {  	[smem:$0x3FAE] =	sst s0  }
0x9: {  	[smem:$0x3FAF] =	sst s1  }
0xa: {  	[smem:$0x3FB0] =	sst s2  }
0xb: {  	[smem:$0x3FB1] =	sst s3  }
0xc: {  	[smem:$0x3FB2] =	sst s4  }
0xd: {  	[smem:$0x3FB3] =	sst s5  }
0xe: {  	[smem:$0x3FB4] =	sst s6  }
0xf: {  	[smem:$0x3FB5] =	sst s7  }
0x10: {  	[smem:$0x3FB6] =	sst s8  }
0x11: {  	[smem:$0x3FB7] =	sst s9;
	s0 =	simm.s32 @!p0 $0x0  }
0x12: {  	s1 =	sld [smem:$0x3F9D];
	s0 =	simm.s32 @p0 $0x1  }
0x13: {  	[smem:$0x3FB8] =	sst s0;
	s0 =	simm.s32 @!p1 $0x0  }
0x14: {  	s2 =	sld [smem:$0x3F9C];
	s0 =	simm.s32 @p1 $0x1  }
0x15: {  	[smem:$0x3FB9] =	sst s0;
	s0 =	simm.s32 @!p2 $0x0  }
0x16: {  	s3 =	sld [smem:$0x3FDB];
	s0 =	simm.s32 @p2 $0x1  }
0x17: {  	s4 =	simm.s32 $0x1BF5;
	[smem:$0x3FBB] =	sst s0  }
0x18: {  	s0 =	sld [smem:$0x3F9E];
	_ =	swait.ge [sflag:s4], $0x0  }
0x19: {  	s7 =	sld [smem:$0x3F9F]  }
0x1a: {  	s8 =	sadd.s32 $0xFFFFE003, lr  }
0x1b: {  	s9 =	sadd.s32 $0xFFFFFEF7, lr;
	s5 =	simm.s32 $0xFFFFFFFF;
	p2 =	slt.u32 s8, $0xFFFFF086  }
0x1c: {  	p1 =	slt.u32 s9, $0xF7A;
	s5 =	simm.s32 @!p2 $0x0  }
0x1d: {  	s5 =	simm.s32 @p1 $0x1;
	p0 =	seq.s32 s7, s2  }
0x1e: {  	s7 =	smul.u32 @!p0 $0xF7A, s2;
	p2 =	seq.s32 @!p0 s5, $0x0  }
0x1f: {  	s9 =	smul.u32 $0xF7A, s1;
	s8 =	simm.s32 @!p0 $0x1BF5;
	p2 =	por !p2, p0  }
0x20: {  	[sflag:s8] =	ssyncset.s32 @!p0 $0xFFFFF086;
	s6 =	sadd.s32 @!p0 s3, s7;
	s7 =	simm.s32 @!p0 $0x108  }
0x21: {  	s3 =	sadd.s32 s3, s9;
	s6 =	sadd.s32 @!p0 $0x88, s6;
	s7 =	simm.s32 @p2 $0x1082  }
0x22: {  	[simem:s7], [sflag:s8] =	dma.local @!p0 [hbm:s6], $0xF7A  }
0x23: {  	s9 =	sor.u32 $0xD0000000, s2;
	s6 =	simm.s32 $0x108;
	_ =	swait.ge @!p0 [sflag:s8], $0x0  }
0x24: {  	s3 =	sadd.s32 $0x88, s3;
	s6 =	simm.s32 @!p1 $0x1082;
	[sflag:s4] =	ssyncset.s32 $0xFFFFF086  }
0x25: {  	[simem:s6], [sflag:s4] =	dma.local [hbm:s3], $0xF7A  }
0x26: {  	[smem:$0x3F9F] =	sst s1;
	(tag) =	ssettag s2;
	_ =	strace s9  }
0x27: {  	s1 =	sld [smem:$0x3FAF]  }
0x28: {  	s2 =	sld [smem:$0x3FB0]  }
0x29: {  	s4 =	sld [smem:$0x3FB2]  }
0x2a: {  	p0 =	seq.s32 s5, $0x0;
	s5 =	sld [smem:$0x3FB3]  }
0x2b: {  	s6 =	sld [smem:$0x3FB4]  }
0x2c: {  	s7 =	sld [smem:$0x3FB5]  }
0x2d: {  	s3 =	simm.s32 $0x108;
	s8 =	sld [smem:$0x3FB6]  }
0x2e: {  	s3 =	simm.s32 @!p0 $0x1082;
	s9 =	sld [smem:$0x3FB7]  }
0x2f: {  	lr =	sadd.s32 s0, s3;
	s0 =	sld [smem:$0x3FAE]  }
0x30: {  	s3 =	sld [smem:$0x3FB1]  }
0x31: {  	[smem:$0x3FBA] =	sst s10  }
0x32: {  	s10 =	sld [smem:$0x3FB8];
	_ =	sdelay $0x3  }
0x33: {  	p0 =	seq.s32 s10, $0x1;
	s10 =	sld [smem:$0x3FBA];
	_ =	sdelay $0x3  }
0x34: {  	[smem:$0x3FBA] =	sst s10  }
0x35: {  	s10 =	sld [smem:$0x3FB9];
	_ =	sdelay $0x3  }
0x36: {  	p1 =	seq.s32 s10, $0x1;
	s10 =	sld [smem:$0x3FBA];
	_ =	sdelay $0x3  }
0x37: {  	[smem:$0x3FBA] =	sst s10  }
0x38: {  	s10 =	sld [smem:$0x3FBB]  }
0x39: {  	_ = 	snop;
	(pc) =	sbr.ind lr, $3  }
0x3a: {  	_ = 	snop  }
0x3b: {  	_ = 	snop  }
0x3c: {  	p2 =	seq.s32 s10, $0x1;
	s10 =	sld [smem:$0x3FBA]  }
0x3d: {  	_ =	shalt  }
0x3e: {  	_ =	shalt  }
0x3f: {  	_ =	shalt  }
0x40: {  	_ =	shalt  }
0x41: {  	_ =	shalt  }
0x42: {  	_ =	shalt  }
0x43: {  	_ =	shalt  }
0x44: {  	_ =	shalt  }
0x45: {  	_ =	shalt  }
0x46: {  	_ =	shalt  }
0x47: {  	_ =	shalt  }
0x48: {  	_ =	shalt  }
0x49: {  	_ =	shalt  }
0x4a: {  	_ =	shalt  }
0x4b: {  	_ =	shalt  }
0x4c: {  	_ =	shalt  }
0x4d: {  	_ =	shalt  }
0x4e: {  	_ =	shalt  }
0x4f: {  	_ =	shalt  }
0x50: {  	_ =	shalt  }
0x51: {  	_ =	shalt  }
0x52: {  	_ =	shalt  }
0x53: {  	_ =	shalt  }
0x54: {  	_ =	shalt  }
0x55: {  	_ =	shalt  }
0x56: {  	_ =	shalt  }
0x57: {  	_ =	shalt  }
0x58: {  	_ =	shalt  }
0x59: {  	_ =	shalt  }
0x5a: {  	_ =	shalt  }
0x5b: {  	_ =	shalt  }
0x5c: {  	_ =	shalt  }
0x5d: {  	_ =	shalt  }
0x5e: {  	_ =	shalt  }
0x5f: {  	_ =	shalt  }
0x60: {  	_ =	shalt  }
0x61: {  	_ =	shalt  }
0x62: {  	_ =	shalt  }
0x63: {  	_ =	shalt  }
0x64: {  	_ =	shalt  }
0x65: {  	_ =	shalt  }
0x66: {  	_ =	shalt  }
0x67: {  	_ =	shalt  }
0x68: {  	_ =	shalt  }
0x69: {  	_ =	shalt  }
0x6a: {  	_ =	shalt  }
0x6b: {  	_ =	shalt  }
0x6c: {  	_ =	shalt  }
0x6d: {  	_ =	shalt  }
0x6e: {  	_ =	shalt  }
0x6f: {  	_ =	shalt  }
0x70: {  	_ =	shalt  }
0x71: {  	_ =	shalt  }
0x72: {  	_ =	shalt  }
0x73: {  	_ =	shalt  }
0x74: {  	_ =	shalt  }
0x75: {  	_ =	shalt  }
0x76: {  	_ =	shalt  }
0x77: {  	_ =	shalt  }
0x78: {  	_ =	shalt  }
0x79: {  	_ =	shalt  }
0x7a: {  	_ =	shalt  }
0x7b: {  	_ =	shalt  }
0x7c: {  	_ =	shalt  }
0x7d: {  	_ =	shalt  }
0x7e: {  	_ =	shalt  }
0x7f: {  	_ =	shalt  }
0x80: {  	_ =	shalt  }
0x81: {  	_ =	shalt  }
0x82: {  	_ =	shalt  }
0x83: {  	_ =	shalt  }
0x84: {  	_ =	shalt  }
0x85: {  	_ =	shalt  }
0x86: {  	_ =	shalt  }
0x87: {  	_ =	shalt  }
.Lfunc_end0:
.L_simem_size_0:
called_computation_lowered:
.L_overlay_start_0:
0x88: {  	s2 =	sld [smem:$0x3FD9]  }
0x89: {  	s3 =	sld [smem:$0x3FFE];
	_ =	sdelay $0x1  }
0x8a: {  	s1 =	srdreg.scid  }
0x8b: {  	s0 =	sand.u32 $0x1, s1  }
0x8c: {  	s17 =	sshll.u32 s0, $0xA;
	s2 =	sadd.s32 s3, s2  }
0x8d: {  	s2 =	sadd.s32 s2, s17  }
0x8e: {  	[smem:$0x3FC6] =	sst s2  }
0x8f: {  	_ = 	snop  }
0x90: {  	s2 =	sld [smem:$0x3FC8]  }
0x91: {  	s18 =	sld [smem:$0x3FD0];
	(tm) =	ssettm $0x1  }
0x92: {  	s4 =	sld [smem:$0x3FFB];
	_ =	sdelay $0x3  }
0x93: {  	_ =	strace s4  }
0x94: {  	s4 =	sld [smem:$0x3FFC];
	_ =	sdelay $0x3  }
0x95: {  	_ =	strace s4  }
0x96: {  	s4 =	sld [smem:$0x3FFD];
	_ =	sdelay $0x3  }
0x97: {  	_ =	strace s4  }
0x98: {  	_ =	strace $0x8FFFFFFF  }
0x99: {  	s19 =	sld [smem:$0x3FDB];
	_ =	sdelay $0x1  }
0x9a: {  	s5 =	simm.s32 $_scs_section_size  }
0x9b: {  	s6 =	simm.s32 $_size__tile_overlayer_lowered;
	s7 =	simm.s32 $_tile_overlayer_lowered  }
0x9c: {  	s22 =	simm.s32 $0x1BFF;
	s21 =	sshll.u32 s7, $0x1;
	s4 =	sadd.s32 s5, s19  }
0x9d: {  	s8 =	simm.s32 $0x0;
	s20 =	sshll.u32 s6, $0x1;
	s6 =	sadd.s32 s21, s4  }
0x9e: {  	[timem:s8], [sflag:s22] =	dma.local [hbm:s6], s20  }
0x9f: {  	_ =	swait.ge [sflag:s22], s20  }
0xa0: {  	s5 =	ssub.s32 $0x0, s20;
	[sflag:s22] =	ssyncset.done $0x0  }
0xa1: {  	[sflag:s22] =	ssyncadd.s32 s5;
	_ =	sdelay $0x1  }
0xa2: {  	s23 =	simm.s32 $0x1B8B  }
0xa3: {  	_ =	swait.ge [sflag:s23], $0x1  }
0xa4: {  	[sflag:s23] =	ssyncset.done $0x0  }
0xa5: {  	s25 =	simm.s32 $0x1B8E;
	s24 =	sld [smem:$0x3FFE];
	[sflag:s23] =	ssyncadd.s32 $0xFFFFFFFF  }
0xa6: {  	s26 =	simm.s32 $execute0_lowered;
	[smem:$0x3FD2] =	sst s25  }
0xa7: {  	s6 =	sshll.u32 s26, $0x1;
	_ =	strace $0x80000046;
	[dreg:$0x1] =	wrdreg $0xFFFFFFFF  }
0xa8: {  	s28 =	simm.s32 $_size_execute0_lowered;
	s4 =	sadd.s32 s4, s6;
	[dreg:$0x0] =	wrdreg $0x0  }
0xa9: {  	s6 =	sshll.u32 s28, $0x1;
	[dreg:$0x2] =	wrdreg s4  }
0xaa: {  	[dreg:$0x3] =	wrdreg s6  }
0xab: {  	[dreg:$0x4] =	wrdreg $0xC0  }
0xac: {  	_ =	task [dreg:s8], $0x5FFFF  }
0xad: {  	[dreg:$0x1] =	wrdreg $0xFFFFFFFF  }
0xae: {  	[dreg:$0x0] =	wrdreg $0x60  }
0xaf: {  	[dreg:$0x2] =	wrdreg s24  }
0xb0: {  	[dreg:$0x3] =	wrdreg s2  }
0xb1: {  	[dreg:$0x4] =	wrdreg s18  }
0xb2: {  	[dreg:$0x5] =	wrdreg $0x9  }
0xb3: {  	_ =	task.clear_ibuf [dreg:s8], $0x6FFFF;
	_ =	strace $0x90000046  }
0xb4: {  	s29 =	simm.s32 $0x9;
	_ =	strace $0x80000048  }
0xb5: {  	_ =	swait.ge [sflag:s29], $0x1  }
0xb6: {  	[sflag:s29] =	ssyncadd.s32 $0xFFFFFFFF  }
0xb7: {  	_ =	strace $0x90000048  }
0xb8: {  	_ =	sfence  }
0xb9: {  	s30 =	sld [smem:$0x0];
	_ =	sdelay $0x2  }
0xba: {  	s31 =	sshll.u32 s1, $0xD;
	s1 =	sshrl.u32 s1, $0x2  }
0xbb: {  	s3 =	sand.u32 $0x4000, s31;
	s1 =	sadd.s32 s1, s30  }
0xbc: {  	s0 =	sor.u32 s3, s0;
	s1 =	sshll.u32 s1, $0x11  }
0xbd: {  	s0 =	sor.u32 s1, s0  }
0xbe: {  	s0 =	sadd.s32 $0x8F2B, s0  }
0xbf: {  	[sflag:s0] =	ssyncadd.remote.s32 $0x1  }
0xc0: {  	_ =	sfence.sel $0xFFFF  }
0xc1: {  	[dreg:$0x0] =	wrdreg $0xFFFFFFFF;
	(pc) =	sbr.abs _section_cstart, $3  }
0xc2: {  	[dreg:$0x1] =	wrdreg $0xFFFFFFFF  }
0xc3: {  	_ =	task.clear_ibuf [dreg:s8], $0x2FFFF;
	_ =	strace $0x9FFFFFFF  }
0xc4: {  	(tm) =	ssettm $0x7FFFFFFF  }
0xc5: {  	_ =	shalt  }
tec
execute0_lowered:
.L_overlay_start_1:
0x0: {  	(tag) =	ssettag $0x1  }
0x1: {  	s0 =	srdreg.scid  }
0x2: {  	s2 =	stileid.u32;
	s1 =	rddreg [dreg:$0x0];
	s5 =	simm.s32 $0x0  }
0x3: {  	s12 =	simm.s32 $0x80;
	s13 =	simm.s32 $0x6400;
	s14 =	simm.s32 $0xA400  }
0x4: {  	s16 =	simm.s32 $0xE400;
	s17 =	simm.s32 $0x12400;
	s18 =	simm.s32 $0x1  }
0x5: {  	s19 =	simm.s32 $0x16400;
	s20 =	simm.s32 $0x2;
	s21 =	simm.s32 $0x3  }
0x6: {  	s22 =	simm.s32 $0x4;
	s23 =	simm.s32 $0x5;
	s25 =	simm.s32 $0x7  }
0x7: {  	s26 =	simm.s32 $0x8;
	s0 =	sand.u32 $0x1, s0;
	s3 =	sshll.u32 s2, $0x1  }
0x8: {  	s28 =	simm.s32 $0x9;
	s29 =	simm.s32 $0xA;
	s6 =	sor.u32 s0, s3  }
0x9: {  	s2 =	rddreg [dreg:$0x1];
	s0 =	ssub.s32 $0x2, s0;
	s4 =	smul.u32 $0x6400, s6  }
0xa: {  	s30 =	simm.s32 $0x0;
	[smem:$0x7FF] =	sst s5;
	s8 =	sshrl.u32 s0, $0x1  }
0xb: {  	s3 =	rddreg [dreg:$0x2];
	s0 =	ssub.s32 s0, s8;
	s7 =	sshrl.u32 s4, $0x3  }
0xc: {  	_ =	strace $0x80000047;
	s0 =	smax.u32 s0, $0x1;
	s1 =	sadd.s32 s7, s1  }
0xd: {  	s9 =	smul.u32 $0x320000, s6;
	[dreg:$0x5] =	wrdreg s0;
	s1 =	sadd.s32 $0x400, s1  }
0xe: {  	s8 =	sor.u32 $0x100, s4;
	s7 =	sor.u32 $0x80, s4;
	[dreg:$0x4] =	wrdreg s1  }
.LBB2_1:
0xf: {  	s0 =	rddreg [dreg:$0x4];
	s15 =	simm.s32 $0xB  }
0x10: {  	[tilespmem:s5], [sflag:$0xB] =	stream.linear.gather [hbm4b:s0+s5], $0x6400, $0x38;
	[tilespmem:$0x1A400] =	vst v63  }
0x11: {  	_ =	swait.ge [sflag:s15], $0x6400  }
0x12: {  	[sflag:s15] =	ssyncset.done $0x0  }
0x13: {  	[sflag:s15] =	ssyncadd.s32 $0xFFFF9C00  }
0x14: {  	[tilespmem:s13], [sflag:$0x1] =	stream.indirect.gather [hbm4b:s2+s12], $0x80, s5, s12, $0xb8;
	[tilespmem:$0x1A400] =	vst v63  }
0x15: {  	_ = 	snop  }
0x16: {  	[tilespmem:s14], [sflag:$0x2] =	stream.indirect.gather [hbm4b:s2+s12], $0x80, s12, s12, $0xb8;
	[tilespmem:$0x1A400] =	vst v63  }
0x17: {  	s24 =	simm.s32 $0x100;
	s31 =	simm.s32 $0x0  }
0x18: {  	[tilespmem:s16], [sflag:$0x3] =	stream.indirect.gather [hbm4b:s2+s12], $0x80, s24, s12, $0xb8;
	[tilespmem:$0x1A400] =	vst v63  }
.LBB2_2:
0x19: {  	s0 =	smul.u32 $0x5, s31;
	p0 =	seq.s32 s31, $0x0  }
0x1a: {  	s6 =	simm.s32 @!p0 $0x9  }
0x1b: {  	s1 =	sadd.s32 $0x3, s0;
	_ =	swait.ge @!p0 [sflag:s6], $0x4000  }
0x1c: {  	[sflag:s6] =	ssyncset.done @!p0 $0x0;
	s10 =	sshll.u32 s1, $0x7  }
0x1d: {  	[sflag:s6] =	ssyncadd.s32 @!p0 $0xFFFFC000;
	s24 =	sand.u32 $0x3FFFFF80, s10  }
0x1e: {  	[tilespmem:s17], [sflag:$0x4] =	stream.indirect.gather [hbm4b:s2+s12], $0x80, s24, s12, $0xb8;
	[tilespmem:$0x1A400] =	vst v63  }
0x1f: {  	_ =	swait.ge [sflag:s18], $0x4000  }
0x20: {  	[sflag:s18] =	ssyncset.done $0x0  }
0x21: {  	s6 =	simm.s32 $0x6480;
	[sflag:s18] =	ssyncadd.s32 $0xFFFFC000  }
0x22: {  	v0 =	vld [tilespmem:s6+$0x70]  }
0x23: {  	v1 =	vld [tilespmem:s6+$0xFFFFFF90]  }
0x24: {  	v2 =	vld [tilespmem:s6+$0xFFFFFFA0]  }
0x25: {  	v3 =	vld [tilespmem:s6+$0xFFFFFFB0]  }
0x26: {  	v4 =	vld [tilespmem:s6+$0xFFFFFFC0]  }
0x27: {  	v5 =	vld [tilespmem:s6+$0xFFFFFFD0];
	v0 =	vmul.f32 $1.131370830e+01, v0  }
0x28: {  	v6 =	vld [tilespmem:s6+$0xFFFFFFE0];
	v1 =	vmul.f32 $1.131370830e+01, v1  }
0x29: {  	v7 =	vld [tilespmem:s6+$0xFFFFFFF0];
	v2 =	vmul.f32 $1.131370830e+01, v2;
	[tilespmem:s6+$0x70] =	vst v0  }
0x2a: {  	[tilespmem:s6+$0xFFFFFF90] =	vst v1;
	v0 =	vmul.f32 $1.131370830e+01, v3;
	v3 =	vld [tilespmem:s6+$0x0]  }
0x2b: {  	[tilespmem:s6+$0xFFFFFFA0] =	vst v2;
	v1 =	vmul.f32 $1.131370830e+01, v4;
	v4 =	vld [tilespmem:s6+$0x10]  }
0x2c: {  	v8 =	vld [tilespmem:s6+$0x20];
	v2 =	vmul.f32 $1.131370830e+01, v5;
	[tilespmem:s6+$0xFFFFFFB0] =	vst v0  }
0x2d: {  	v5 =	vmul.f32 $1.131370830e+01, v6;
	[tilespmem:s6+$0xFFFFFFC0] =	vst v1;
	v0 =	vld [tilespmem:s6+$0x30]  }
0x2e: {  	[tilespmem:s6+$0xFFFFFFD0] =	vst v2;
	v2 =	vmul.f32 $1.131370830e+01, v7;
	v1 =	vld [tilespmem:s6+$0x40]  }
0x2f: {  	[tilespmem:s6+$0xFFFFFFE0] =	vst v5;
	v6 =	vmul.f32 $1.131370830e+01, v3;
	v3 =	vld [tilespmem:s6+$0x50]  }
0x30: {  	[tilespmem:s6+$0xFFFFFFF0] =	vst v2;
	v2 =	vld [tilespmem:s6+$0x60];
	v5 =	vmul.f32 $1.131370830e+01, v4  }
0x31: {  	s11 =	simm.s32 $0x6580;
	s10 =	simm.s32 $0x0;
	v4 =	vld [tilespmem:s6+$0xFFFFFF80];
	[tilespmem:s6+$0x0] =	vst v6;
	v6 =	vmul.f32 $1.131370830e+01, v8  }
.LBB2_3:
0x32: {  	v7 =	vld [tilespmem:s11+$0x70];
	s10 =	sadd.s32 $0x2, s10;
	[tilespmem:s6+$0x10] =	vst v5;
	v0 =	vmul.f32 $1.131370830e+01, v0  }
0x33: {  	v5 =	vld [tilespmem:s11+$0xFFFFFF90];
	p1 =	slt.u32 s10, $0x7E;
	[tilespmem:s6+$0x20] =	vst v6;
	v1 =	vmul.f32 $1.131370830e+01, v1  }
0x34: {  	v6 =	vld [tilespmem:s11+$0xFFFFFFA0];
	[tilespmem:s6+$0x30] =	vst v0;
	v0 =	vmul.f32 $1.131370830e+01, v3  }
0x35: {  	v3 =	vld [tilespmem:s11+$0xFFFFFFB0];
	[tilespmem:s6+$0x40] =	vst v1;
	v1 =	vmul.f32 $1.131370830e+01, v2  }
0x36: {  	v2 =	vld [tilespmem:s11+$0xFFFFFFC0];
	v4 =	vmul.f32 $1.131370830e+01, v4;
	[tilespmem:s6+$0x50] =	vst v0  }
0x37: {  	v0 =	vld [tilespmem:s11+$0xFFFFFFD0];
	v7 =	vmul.f32 $1.131370830e+01, v7;
	[tilespmem:s6+$0x60] =	vst v1  }
0x38: {  	v1 =	vmul.f32 $1.131370830e+01, v5;
	v5 =	vld [tilespmem:s11+$0xFFFFFFE0];
	[tilespmem:s6+$0xFFFFFF80] =	vst v4;
	s6 =	smov.u32 s11  }
0x39: {  	v4 =	vmul.f32 $1.131370830e+01, v6;
	v6 =	vld [tilespmem:s11+$0xFFFFFFF0];
	[tilespmem:s11+$0x70] =	vst v7  }
0x3a: {  	[tilespmem:s11+$0xFFFFFF90] =	vst v1;
	v1 =	vmul.f32 $1.131370830e+01, v3;
	v3 =	vld [tilespmem:s11+$0x0]  }
0x3b: {  	[tilespmem:s11+$0xFFFFFFA0] =	vst v4;
	v2 =	vmul.f32 $1.131370830e+01, v2;
	v4 =	vld [tilespmem:s11+$0x10]  }
0x3c: {  	[tilespmem:s11+$0xFFFFFFB0] =	vst v1;
	v1 =	vmul.f32 $1.131370830e+01, v0;
	v7 =	vld [tilespmem:s11+$0x20]  }
.Ltmp0:
0x3d: {  	[tilespmem:s11+$0xFFFFFFC0] =	vst v2;
	v2 =	vmul.f32 $1.131370830e+01, v5;
	v0 =	vld [tilespmem:s11+$0x30];
	(pc) =	sbr.rel @p1 .LBB2_3-.Ltmp0, $4  }
0x3e: {  	[tilespmem:s11+$0xFFFFFFD0] =	vst v1;
	v5 =	vmul.f32 $1.131370830e+01, v6;
	v1 =	vld [tilespmem:s11+$0x40]  }
0x3f: {  	[tilespmem:s11+$0xFFFFFFE0] =	vst v2;
	v6 =	vmul.f32 $1.131370830e+01, v3;
	v3 =	vld [tilespmem:s11+$0x50]  }
0x40: {  	[tilespmem:s11+$0xFFFFFFF0] =	vst v5;
	v5 =	vmul.f32 $1.131370830e+01, v4;
	v2 =	vld [tilespmem:s11+$0x60]  }
0x41: {  	s11 =	sadd.s32 $0x100, s11;
	v4 =	vld [tilespmem:s6+$0xFFFFFF80];
	[tilespmem:s6+$0x0] =	vst v6;
	v6 =	vmul.f32 $1.131370830e+01, v7  }
0x42: {  	[tilespmem:s6+$0x10] =	vst v5;
	v0 =	vmul.f32 $1.131370830e+01, v0  }
0x43: {  	[tilespmem:s6+$0x20] =	vst v6;
	v1 =	vmul.f32 $1.131370830e+01, v1  }
0x44: {  	s15 =	smul.u32 $0x280, s31;
	[tilespmem:s6+$0x30] =	vst v0;
	v0 =	vmul.f32 $1.131370830e+01, v3  }
0x45: {  	[tilespmem:s6+$0x40] =	vst v1;
	v1 =	vmul.f32 $1.131370830e+01, v2  }
0x46: {  	s10 =	sadd.s32 s4, s15;
	v2 =	vmul.f32 $1.131370830e+01, v4;
	[tilespmem:s6+$0x50] =	vst v0  }
0x47: {  	s10 =	sshll.u32 s10, $0x4;
	[tilespmem:s6+$0x60] =	vst v1  }
0x48: {  	s10 =	sadd.s32 s3, s10;
	[tilespmem:s6+$0xFFFFFF80] =	vst v2;
	s6 =	simm.s32 @!p0 $0xA  }
0x49: {  	[hbm4b:s10+s5] =	stream.linear.scatter [tilespmem:s13], [sflag:$0x6], $0x4000, $0x38;
	[tilespmem:$0x1A400] =	vst v63  }
0x4a: {  	s0 =	sadd.s32 $0x4, s0;
	_ =	swait.ge @!p0 [sflag:s6], $0x4000  }
0x4b: {  	s11 =	sshll.u32 s0, $0x7;
	[sflag:s6] =	ssyncset.done @!p0 $0x0  }
0x4c: {  	s24 =	sand.u32 $0x3FFFFF80, s11;
	[sflag:s6] =	ssyncadd.s32 @!p0 $0xFFFFC000  }
0x4d: {  	[tilespmem:s19], [sflag:$0x5] =	stream.indirect.gather [hbm4b:s2+s12], $0x80, s24, s12, $0xb8;
	[tilespmem:$0x1A400] =	vst v63  }
0x4e: {  	_ =	swait.ge [sflag:s20], $0x4000  }
0x4f: {  	[sflag:s20] =	ssyncset.done $0x0  }
0x50: {  	s6 =	simm.s32 $0xA400;
	[sflag:s20] =	ssyncadd.s32 $0xFFFFC000  }
0x51: {  	v0 =	vld [tilespmem:s6+$0xF0]  }
0x52: {  	v1 =	vld [tilespmem:s6+$0x10]  }
0x53: {  	v2 =	vld [tilespmem:s6+$0x20]  }
0x54: {  	v3 =	vld [tilespmem:s6+$0x30]  }
0x55: {  	v4 =	vld [tilespmem:s6+$0x40]  }
0x56: {  	v5 =	vld [tilespmem:s6+$0x50];
	v0 =	vmul.f32 $1.131370830e+01, v0  }
0x57: {  	v6 =	vld [tilespmem:s6+$0x60];
	v1 =	vmul.f32 $1.131370830e+01, v1  }
0x58: {  	v7 =	vld [tilespmem:s6+$0x70];
	v2 =	vmul.f32 $1.131370830e+01, v2;
	[tilespmem:s6+$0xF0] =	vst v0  }
0x59: {  	[tilespmem:s6+$0x10] =	vst v1;
	v0 =	vmul.f32 $1.131370830e+01, v3;
	v3 =	vld [tilespmem:s6+$0x80]  }
0x5a: {  	[tilespmem:s6+$0x20] =	vst v2;
	v1 =	vmul.f32 $1.131370830e+01, v4;
	v4 =	vld [tilespmem:s6+$0x90]  }
0x5b: {  	v8 =	vld [tilespmem:s6+$0xA0];
	v2 =	vmul.f32 $1.131370830e+01, v5;
	[tilespmem:s6+$0x30] =	vst v0  }
0x5c: {  	v5 =	vmul.f32 $1.131370830e+01, v6;
	[tilespmem:s6+$0x40] =	vst v1;
	v0 =	vld [tilespmem:s6+$0xB0]  }
0x5d: {  	v6 =	vmul.f32 $1.131370830e+01, v7;
	[tilespmem:s6+$0x50] =	vst v2;
	v1 =	vld [tilespmem:s6+$0xC0]  }
0x5e: {  	[tilespmem:s6+$0x60] =	vst v5;
	v2 =	vld [tilespmem:s6+$0xD0];
	v7 =	vmul.f32 $1.131370830e+01, v3  }
0x5f: {  	[tilespmem:s6+$0x70] =	vst v6;
	v3 =	vld [tilespmem:s6+$0xE0];
	v5 =	vmul.f32 $1.131370830e+01, v4  }
0x60: {  	s11 =	simm.s32 $0xA500;
	s10 =	simm.s32 $0x0;
	v6 =	vmul.f32 $1.131370830e+01, v8;
	v4 =	vld [tilespmem:s6+$0x0];
	[tilespmem:s6+$0x80] =	vst v7  }
.LBB2_5:
0x61: {  	v7 =	vld [tilespmem:s11+$0xF0];
	s10 =	sadd.s32 $0x2, s10;
	[tilespmem:s6+$0x90] =	vst v5;
	v0 =	vmul.f32 $1.131370830e+01, v0  }
0x62: {  	v5 =	vld [tilespmem:s11+$0x10];
	p0 =	slt.u32 s10, $0x7E;
	[tilespmem:s6+$0xA0] =	vst v6;
	v1 =	vmul.f32 $1.131370830e+01, v1  }
0x63: {  	v6 =	vld [tilespmem:s11+$0x20];
	[tilespmem:s6+$0xB0] =	vst v0;
	v0 =	vmul.f32 $1.131370830e+01, v2  }
0x64: {  	v2 =	vld [tilespmem:s11+$0x30];
	[tilespmem:s6+$0xC0] =	vst v1;
	v1 =	vmul.f32 $1.131370830e+01, v3  }
0x65: {  	v3 =	vld [tilespmem:s11+$0x40];
	v4 =	vmul.f32 $1.131370830e+01, v4;
	[tilespmem:s6+$0xD0] =	vst v0  }
0x66: {  	v0 =	vld [tilespmem:s11+$0x50];
	v7 =	vmul.f32 $1.131370830e+01, v7;
	[tilespmem:s6+$0xE0] =	vst v1  }
0x67: {  	v1 =	vmul.f32 $1.131370830e+01, v5;
	v5 =	vld [tilespmem:s11+$0x60];
	[tilespmem:s6+$0x0] =	vst v4;
	s6 =	smov.u32 s11  }
0x68: {  	v4 =	vmul.f32 $1.131370830e+01, v6;
	v6 =	vld [tilespmem:s11+$0x70];
	[tilespmem:s11+$0xF0] =	vst v7  }
0x69: {  	[tilespmem:s11+$0x10] =	vst v1;
	v1 =	vmul.f32 $1.131370830e+01, v2;
	v2 =	vld [tilespmem:s11+$0x80]  }
0x6a: {  	[tilespmem:s11+$0x20] =	vst v4;
	v3 =	vmul.f32 $1.131370830e+01, v3;
	v4 =	vld [tilespmem:s11+$0x90]  }
0x6b: {  	[tilespmem:s11+$0x30] =	vst v1;
	v1 =	vmul.f32 $1.131370830e+01, v0;
	v7 =	vld [tilespmem:s11+$0xA0]  }
.Ltmp1:
0x6c: {  	[tilespmem:s11+$0x40] =	vst v3;
	v3 =	vmul.f32 $1.131370830e+01, v5;
	v0 =	vld [tilespmem:s11+$0xB0];
	(pc) =	sbr.rel @p0 .LBB2_5-.Ltmp1, $4  }
0x6d: {  	[tilespmem:s11+$0x50] =	vst v1;
	v5 =	vmul.f32 $1.131370830e+01, v6;
	v1 =	vld [tilespmem:s11+$0xC0]  }
0x6e: {  	[tilespmem:s11+$0x60] =	vst v3;
	v6 =	vmul.f32 $1.131370830e+01, v2;
	v2 =	vld [tilespmem:s11+$0xD0]  }
0x6f: {  	[tilespmem:s11+$0x70] =	vst v5;
	v5 =	vmul.f32 $1.131370830e+01, v4;
	v3 =	vld [tilespmem:s11+$0xE0]  }
0x70: {  	s11 =	sadd.s32 $0x100, s11;
	v4 =	vld [tilespmem:s6+$0x0];
	[tilespmem:s6+$0x80] =	vst v6;
	v6 =	vmul.f32 $1.131370830e+01, v7  }
0x71: {  	[tilespmem:s6+$0x90] =	vst v5;
	v0 =	vmul.f32 $1.131370830e+01, v0  }
0x72: {  	[tilespmem:s6+$0xA0] =	vst v6;
	v1 =	vmul.f32 $1.131370830e+01, v1  }
0x73: {  	[tilespmem:s6+$0xB0] =	vst v0;
	v0 =	vmul.f32 $1.131370830e+01, v2  }
0x74: {  	[tilespmem:s6+$0xC0] =	vst v1;
	v1 =	vmul.f32 $1.131370830e+01, v3  }
0x75: {  	s10 =	sadd.s32 s15, s7;
	v2 =	vmul.f32 $1.131370830e+01, v4;
	[tilespmem:s6+$0xD0] =	vst v0  }
0x76: {  	p0 =	seq.s32 s31, $0x27;
	s10 =	sshll.u32 s10, $0x4;
	[tilespmem:s6+$0xE0] =	vst v1  }
0x77: {  	s24 =	sadd.s32 s3, s10;
	[tilespmem:s6+$0x0] =	vst v2;
	s6 =	simm.s32 @!p0 $0x6  }
0x78: {  	[hbm4b:s24+s5] =	stream.linear.scatter [tilespmem:s14], [sflag:$0x7], $0x4000, $0x38;
	[tilespmem:$0x1A400] =	vst v63  }
0x79: {  	s10 =	smul.u32 @!p0 $0xA00, s31;
	_ =	swait.ge @!p0 [sflag:s6], $0x4000  }
0x7a: {  	[sflag:s6] =	ssyncset.done @!p0 $0x0  }
0x7b: {  	[sflag:s6] =	ssyncadd.s32 @!p0 $0xFFFFC000;
	s6 =	sshra.s32 @!p0 s10, $0x2  }
0x7c: {  	s11 =	simm.s32 @!p0 $0x80;
	s24 =	simm.s32 @!p0 $0x6400;
	s10 =	sadd.s32 @!p0 $0x280, s6  }
0x7d: {  	[tilespmem:s24], [sflag:$0x1] =	stream.indirect.gather @!p0 [hbm4b:s2+s11], $0x80, s10, s11, $0xb8;
	[tilespmem:$0x1A400] =	vst v63  }
0x7e: {  	_ =	swait.ge [sflag:s21], $0x4000  }
0x7f: {  	[sflag:s21] =	ssyncset.done $0x0  }
0x80: {  	s10 =	simm.s32 $0xE400;
	[sflag:s21] =	ssyncadd.s32 $0xFFFFC000  }
0x81: {  	v0 =	vld [tilespmem:s10+$0xF0]  }
0x82: {  	v1 =	vld [tilespmem:s10+$0x10]  }
0x83: {  	v2 =	vld [tilespmem:s10+$0x20]  }
0x84: {  	v3 =	vld [tilespmem:s10+$0x30]  }
0x85: {  	v4 =	vld [tilespmem:s10+$0x40]  }
0x86: {  	v5 =	vld [tilespmem:s10+$0x50];
	v0 =	vmul.f32 $1.131370830e+01, v0  }
0x87: {  	v6 =	vld [tilespmem:s10+$0x60];
	v1 =	vmul.f32 $1.131370830e+01, v1  }
0x88: {  	v7 =	vld [tilespmem:s10+$0x70];
	v2 =	vmul.f32 $1.131370830e+01, v2;
	[tilespmem:s10+$0xF0] =	vst v0  }
0x89: {  	[tilespmem:s10+$0x10] =	vst v1;
	v0 =	vmul.f32 $1.131370830e+01, v3;
	v3 =	vld [tilespmem:s10+$0x80]  }
0x8a: {  	[tilespmem:s10+$0x20] =	vst v2;
	v1 =	vmul.f32 $1.131370830e+01, v4;
	v4 =	vld [tilespmem:s10+$0x90]  }
0x8b: {  	v8 =	vld [tilespmem:s10+$0xA0];
	v2 =	vmul.f32 $1.131370830e+01, v5;
	[tilespmem:s10+$0x30] =	vst v0  }
0x8c: {  	v5 =	vmul.f32 $1.131370830e+01, v6;
	[tilespmem:s10+$0x40] =	vst v1;
	v0 =	vld [tilespmem:s10+$0xB0]  }
0x8d: {  	v6 =	vmul.f32 $1.131370830e+01, v7;
	[tilespmem:s10+$0x50] =	vst v2;
	v1 =	vld [tilespmem:s10+$0xC0]  }
0x8e: {  	[tilespmem:s10+$0x60] =	vst v5;
	v2 =	vld [tilespmem:s10+$0xD0];
	v7 =	vmul.f32 $1.131370830e+01, v3  }
0x8f: {  	[tilespmem:s10+$0x70] =	vst v6;
	v3 =	vld [tilespmem:s10+$0xE0];
	v5 =	vmul.f32 $1.131370830e+01, v4  }
0x90: {  	s11 =	simm.s32 $0x0;
	s24 =	simm.s32 $0xE500;
	v6 =	vmul.f32 $1.131370830e+01, v8;
	v4 =	vld [tilespmem:s10+$0x0];
	[tilespmem:s10+$0x80] =	vst v7  }
.LBB2_7:
0x91: {  	v7 =	vld [tilespmem:s24+$0xF0];
	s11 =	sadd.s32 $0x2, s11;
	[tilespmem:s10+$0x90] =	vst v5;
	v0 =	vmul.f32 $1.131370830e+01, v0  }
0x92: {  	v5 =	vld [tilespmem:s24+$0x10];
	p1 =	slt.u32 s11, $0x7E;
	[tilespmem:s10+$0xA0] =	vst v6;
	v1 =	vmul.f32 $1.131370830e+01, v1  }
0x93: {  	v6 =	vld [tilespmem:s24+$0x20];
	[tilespmem:s10+$0xB0] =	vst v0;
	v0 =	vmul.f32 $1.131370830e+01, v2  }
0x94: {  	v2 =	vld [tilespmem:s24+$0x30];
	[tilespmem:s10+$0xC0] =	vst v1;
	v1 =	vmul.f32 $1.131370830e+01, v3  }
0x95: {  	v3 =	vld [tilespmem:s24+$0x40];
	v4 =	vmul.f32 $1.131370830e+01, v4;
	[tilespmem:s10+$0xD0] =	vst v0  }
0x96: {  	v0 =	vld [tilespmem:s24+$0x50];
	v7 =	vmul.f32 $1.131370830e+01, v7;
	[tilespmem:s10+$0xE0] =	vst v1  }
0x97: {  	v1 =	vmul.f32 $1.131370830e+01, v5;
	v5 =	vld [tilespmem:s24+$0x60];
	[tilespmem:s10+$0x0] =	vst v4;
	s10 =	smov.u32 s24  }
0x98: {  	v4 =	vmul.f32 $1.131370830e+01, v6;
	v6 =	vld [tilespmem:s24+$0x70];
	[tilespmem:s24+$0xF0] =	vst v7  }
0x99: {  	[tilespmem:s24+$0x10] =	vst v1;
	v1 =	vmul.f32 $1.131370830e+01, v2;
	v2 =	vld [tilespmem:s24+$0x80]  }
0x9a: {  	[tilespmem:s24+$0x20] =	vst v4;
	v3 =	vmul.f32 $1.131370830e+01, v3;
	v4 =	vld [tilespmem:s24+$0x90]  }
0x9b: {  	[tilespmem:s24+$0x30] =	vst v1;
	v1 =	vmul.f32 $1.131370830e+01, v0;
	v7 =	vld [tilespmem:s24+$0xA0]  }
.Ltmp2:
0x9c: {  	[tilespmem:s24+$0x40] =	vst v3;
	v3 =	vmul.f32 $1.131370830e+01, v5;
	v0 =	vld [tilespmem:s24+$0xB0];
	(pc) =	sbr.rel @p1 .LBB2_7-.Ltmp2, $4  }
0x9d: {  	[tilespmem:s24+$0x50] =	vst v1;
	v5 =	vmul.f32 $1.131370830e+01, v6;
	v1 =	vld [tilespmem:s24+$0xC0]  }
0x9e: {  	[tilespmem:s24+$0x60] =	vst v3;
	v6 =	vmul.f32 $1.131370830e+01, v2;
	v2 =	vld [tilespmem:s24+$0xD0]  }
0x9f: {  	[tilespmem:s24+$0x70] =	vst v5;
	v5 =	vmul.f32 $1.131370830e+01, v4;
	v3 =	vld [tilespmem:s24+$0xE0]  }
0xa0: {  	s24 =	sadd.s32 $0x100, s24;
	v4 =	vld [tilespmem:s10+$0x0];
	[tilespmem:s10+$0x80] =	vst v6;
	v6 =	vmul.f32 $1.131370830e+01, v7  }
0xa1: {  	[tilespmem:s10+$0x90] =	vst v5;
	v0 =	vmul.f32 $1.131370830e+01, v0  }
0xa2: {  	[tilespmem:s10+$0xA0] =	vst v6;
	v1 =	vmul.f32 $1.131370830e+01, v1  }
0xa3: {  	[tilespmem:s10+$0xB0] =	vst v0;
	v0 =	vmul.f32 $1.131370830e+01, v2  }
0xa4: {  	[tilespmem:s10+$0xC0] =	vst v1;
	v1 =	vmul.f32 $1.131370830e+01, v3  }
0xa5: {  	s11 =	sadd.s32 s15, s8;
	v2 =	vmul.f32 $1.131370830e+01, v4;
	[tilespmem:s10+$0xD0] =	vst v0  }
0xa6: {  	s11 =	sshll.u32 s11, $0x4;
	[tilespmem:s10+$0xE0] =	vst v1  }
0xa7: {  	s24 =	sadd.s32 s3, s11;
	[tilespmem:s10+$0x0] =	vst v2;
	s10 =	simm.s32 @!p0 $0x7  }
0xa8: {  	[hbm4b:s24+s5] =	stream.linear.scatter [tilespmem:s16], [sflag:$0x8], $0x4000, $0x38;
	[tilespmem:$0x1A400] =	vst v63  }
0xa9: {  	_ =	swait.ge @!p0 [sflag:s10], $0x4000  }
0xaa: {  	s15 =	simm.s32 @!p0 $0xA400;
	[sflag:s10] =	ssyncset.done @!p0 $0x0  }
0xab: {  	s11 =	simm.s32 @!p0 $0x80;
	[sflag:s10] =	ssyncadd.s32 @!p0 $0xFFFFC000;
	s10 =	sadd.s32 @!p0 $0x300, s6  }
0xac: {  	[tilespmem:s15], [sflag:$0x2] =	stream.indirect.gather @!p0 [hbm4b:s2+s11], $0x80, s10, s11, $0xb8;
	[tilespmem:$0x1A400] =	vst v63  }
0xad: {  	_ =	swait.ge [sflag:s22], $0x4000  }
0xae: {  	[sflag:s22] =	ssyncset.done $0x0  }
0xaf: {  	s15 =	simm.s32 $0x12400;
	[sflag:s22] =	ssyncadd.s32 $0xFFFFC000  }
0xb0: {  	v0 =	vld [tilespmem:s15+$0xF0]  }
0xb1: {  	v1 =	vld [tilespmem:s15+$0x10]  }
0xb2: {  	v2 =	vld [tilespmem:s15+$0x20]  }
0xb3: {  	v3 =	vld [tilespmem:s15+$0x30]  }
0xb4: {  	v4 =	vld [tilespmem:s15+$0x40]  }
0xb5: {  	v5 =	vld [tilespmem:s15+$0x50];
	v0 =	vmul.f32 $1.131370830e+01, v0  }
0xb6: {  	v6 =	vld [tilespmem:s15+$0x60];
	v1 =	vmul.f32 $1.131370830e+01, v1  }
0xb7: {  	v7 =	vld [tilespmem:s15+$0x70];
	v2 =	vmul.f32 $1.131370830e+01, v2;
	[tilespmem:s15+$0xF0] =	vst v0  }
0xb8: {  	[tilespmem:s15+$0x10] =	vst v1;
	v0 =	vmul.f32 $1.131370830e+01, v3;
	v3 =	vld [tilespmem:s15+$0x80]  }
0xb9: {  	[tilespmem:s15+$0x20] =	vst v2;
	v1 =	vmul.f32 $1.131370830e+01, v4;
	v4 =	vld [tilespmem:s15+$0x90]  }
0xba: {  	v8 =	vld [tilespmem:s15+$0xA0];
	v2 =	vmul.f32 $1.131370830e+01, v5;
	[tilespmem:s15+$0x30] =	vst v0  }
0xbb: {  	v5 =	vmul.f32 $1.131370830e+01, v6;
	[tilespmem:s15+$0x40] =	vst v1;
	v0 =	vld [tilespmem:s15+$0xB0]  }
0xbc: {  	v6 =	vmul.f32 $1.131370830e+01, v7;
	[tilespmem:s15+$0x50] =	vst v2;
	v1 =	vld [tilespmem:s15+$0xC0]  }
0xbd: {  	[tilespmem:s15+$0x60] =	vst v5;
	v2 =	vld [tilespmem:s15+$0xD0];
	v7 =	vmul.f32 $1.131370830e+01, v3  }
0xbe: {  	[tilespmem:s15+$0x70] =	vst v6;
	v3 =	vld [tilespmem:s15+$0xE0];
	v5 =	vmul.f32 $1.131370830e+01, v4  }
0xbf: {  	s10 =	simm.s32 $0x0;
	s11 =	simm.s32 $0x12500;
	v6 =	vmul.f32 $1.131370830e+01, v8;
	v4 =	vld [tilespmem:s15+$0x0];
	[tilespmem:s15+$0x80] =	vst v7  }
.LBB2_9:
0xc0: {  	v7 =	vld [tilespmem:s11+$0xF0];
	s10 =	sadd.s32 $0x2, s10;
	[tilespmem:s15+$0x90] =	vst v5;
	v0 =	vmul.f32 $1.131370830e+01, v0  }
0xc1: {  	v5 =	vld [tilespmem:s11+$0x10];
	p1 =	slt.u32 s10, $0x7E;
	[tilespmem:s15+$0xA0] =	vst v6;
	v1 =	vmul.f32 $1.131370830e+01, v1  }
0xc2: {  	v6 =	vld [tilespmem:s11+$0x20];
	[tilespmem:s15+$0xB0] =	vst v0;
	v0 =	vmul.f32 $1.131370830e+01, v2  }
0xc3: {  	v2 =	vld [tilespmem:s11+$0x30];
	[tilespmem:s15+$0xC0] =	vst v1;
	v1 =	vmul.f32 $1.131370830e+01, v3  }
0xc4: {  	v3 =	vld [tilespmem:s11+$0x40];
	v4 =	vmul.f32 $1.131370830e+01, v4;
	[tilespmem:s15+$0xD0] =	vst v0  }
0xc5: {  	v0 =	vld [tilespmem:s11+$0x50];
	v7 =	vmul.f32 $1.131370830e+01, v7;
	[tilespmem:s15+$0xE0] =	vst v1  }
0xc6: {  	v1 =	vmul.f32 $1.131370830e+01, v5;
	v5 =	vld [tilespmem:s11+$0x60];
	[tilespmem:s15+$0x0] =	vst v4;
	s15 =	smov.u32 s11  }
0xc7: {  	v4 =	vmul.f32 $1.131370830e+01, v6;
	v6 =	vld [tilespmem:s11+$0x70];
	[tilespmem:s11+$0xF0] =	vst v7  }
0xc8: {  	[tilespmem:s11+$0x10] =	vst v1;
	v1 =	vmul.f32 $1.131370830e+01, v2;
	v2 =	vld [tilespmem:s11+$0x80]  }
0xc9: {  	[tilespmem:s11+$0x20] =	vst v4;
	v3 =	vmul.f32 $1.131370830e+01, v3;
	v4 =	vld [tilespmem:s11+$0x90]  }
0xca: {  	[tilespmem:s11+$0x30] =	vst v1;
	v1 =	vmul.f32 $1.131370830e+01, v0;
	v7 =	vld [tilespmem:s11+$0xA0]  }
.Ltmp3:
0xcb: {  	[tilespmem:s11+$0x40] =	vst v3;
	v3 =	vmul.f32 $1.131370830e+01, v5;
	v0 =	vld [tilespmem:s11+$0xB0];
	(pc) =	sbr.rel @p1 .LBB2_9-.Ltmp3, $4  }
0xcc: {  	[tilespmem:s11+$0x50] =	vst v1;
	v5 =	vmul.f32 $1.131370830e+01, v6;
	v1 =	vld [tilespmem:s11+$0xC0]  }
0xcd: {  	[tilespmem:s11+$0x60] =	vst v3;
	v6 =	vmul.f32 $1.131370830e+01, v2;
	v2 =	vld [tilespmem:s11+$0xD0]  }
0xce: {  	[tilespmem:s11+$0x70] =	vst v5;
	v5 =	vmul.f32 $1.131370830e+01, v4;
	v3 =	vld [tilespmem:s11+$0xE0]  }
0xcf: {  	s11 =	sadd.s32 $0x100, s11;
	v4 =	vld [tilespmem:s15+$0x0];
	[tilespmem:s15+$0x80] =	vst v6;
	v6 =	vmul.f32 $1.131370830e+01, v7  }
0xd0: {  	[tilespmem:s15+$0x90] =	vst v5;
	v0 =	vmul.f32 $1.131370830e+01, v0  }
0xd1: {  	[tilespmem:s15+$0xA0] =	vst v6;
	v1 =	vmul.f32 $1.131370830e+01, v1  }
0xd2: {  	[tilespmem:s15+$0xB0] =	vst v0;
	v0 =	vmul.f32 $1.131370830e+01, v2  }
0xd3: {  	s1 =	sshll.u32 s1, $0xE;
	[tilespmem:s15+$0xC0] =	vst v1;
	v1 =	vmul.f32 $1.131370830e+01, v3  }
0xd4: {  	s1 =	sadd.s32 s9, s1;
	v2 =	vmul.f32 $1.131370830e+01, v4;
	[tilespmem:s15+$0xD0] =	vst v0  }
0xd5: {  	s1 =	sshrl.u32 s1, $0x3;
	[tilespmem:s15+$0xE0] =	vst v1  }
0xd6: {  	s1 =	sadd.s32 s3, s1;
	[tilespmem:s15+$0x0] =	vst v2  }
0xd7: {  	[hbm4b:s1+s5] =	stream.linear.scatter [tilespmem:s17], [sflag:$0x9], $0x4000, $0x38;
	[tilespmem:$0x1A400] =	vst v63  }
0xd8: {  	s1 =	simm.s32 @!p0 $0x8  }
0xd9: {  	_ =	swait.ge @!p0 [sflag:s1], $0x4000  }
0xda: {  	s10 =	simm.s32 @!p0 $0xE400;
	[sflag:s1] =	ssyncset.done @!p0 $0x0  }
0xdb: {  	[sflag:s1] =	ssyncadd.s32 @!p0 $0xFFFFC000;
	s1 =	sadd.s32 @!p0 $0x380, s6;
	s6 =	simm.s32 @!p0 $0x80  }
0xdc: {  	[tilespmem:s10], [sflag:$0x3] =	stream.indirect.gather @!p0 [hbm4b:s2+s6], $0x80, s1, s6, $0xb8;
	[tilespmem:$0x1A400] =	vst v63  }
0xdd: {  	_ =	swait.ge [sflag:s23], $0x4000  }
0xde: {  	[sflag:s23] =	ssyncset.done $0x0  }
0xdf: {  	s1 =	simm.s32 $0x16400;
	[sflag:s23] =	ssyncadd.s32 $0xFFFFC000  }
0xe0: {  	v0 =	vld [tilespmem:s1+$0xF0]  }
0xe1: {  	v1 =	vld [tilespmem:s1+$0x10]  }
0xe2: {  	v2 =	vld [tilespmem:s1+$0x20]  }
0xe3: {  	v3 =	vld [tilespmem:s1+$0x30]  }
0xe4: {  	v4 =	vld [tilespmem:s1+$0x40]  }
0xe5: {  	v5 =	vld [tilespmem:s1+$0x50];
	v0 =	vmul.f32 $1.131370830e+01, v0  }
0xe6: {  	v6 =	vld [tilespmem:s1+$0x60];
	v1 =	vmul.f32 $1.131370830e+01, v1  }
0xe7: {  	v7 =	vld [tilespmem:s1+$0x70];
	v2 =	vmul.f32 $1.131370830e+01, v2;
	[tilespmem:s1+$0xF0] =	vst v0  }
0xe8: {  	[tilespmem:s1+$0x10] =	vst v1;
	v0 =	vmul.f32 $1.131370830e+01, v3;
	v3 =	vld [tilespmem:s1+$0x80]  }
0xe9: {  	[tilespmem:s1+$0x20] =	vst v2;
	v1 =	vmul.f32 $1.131370830e+01, v4;
	v4 =	vld [tilespmem:s1+$0x90]  }
0xea: {  	v8 =	vld [tilespmem:s1+$0xA0];
	v2 =	vmul.f32 $1.131370830e+01, v5;
	[tilespmem:s1+$0x30] =	vst v0  }
0xeb: {  	v5 =	vmul.f32 $1.131370830e+01, v6;
	[tilespmem:s1+$0x40] =	vst v1;
	v0 =	vld [tilespmem:s1+$0xB0]  }
0xec: {  	v6 =	vmul.f32 $1.131370830e+01, v7;
	[tilespmem:s1+$0x50] =	vst v2;
	v1 =	vld [tilespmem:s1+$0xC0]  }
0xed: {  	[tilespmem:s1+$0x60] =	vst v5;
	v2 =	vld [tilespmem:s1+$0xD0];
	v7 =	vmul.f32 $1.131370830e+01, v3  }
0xee: {  	[tilespmem:s1+$0x70] =	vst v6;
	v3 =	vld [tilespmem:s1+$0xE0];
	v5 =	vmul.f32 $1.131370830e+01, v4  }
0xef: {  	s6 =	simm.s32 $0x0;
	s10 =	simm.s32 $0x16500;
	v6 =	vmul.f32 $1.131370830e+01, v8;
	v4 =	vld [tilespmem:s1+$0x0];
	[tilespmem:s1+$0x80] =	vst v7  }
.LBB2_11:
0xf0: {  	v7 =	vld [tilespmem:s10+$0xF0];
	s6 =	sadd.s32 $0x2, s6;
	[tilespmem:s1+$0x90] =	vst v5;
	v0 =	vmul.f32 $1.131370830e+01, v0  }
0xf1: {  	v5 =	vld [tilespmem:s10+$0x10];
	p0 =	slt.u32 s6, $0x7E;
	[tilespmem:s1+$0xA0] =	vst v6;
	v1 =	vmul.f32 $1.131370830e+01, v1  }
0xf2: {  	v6 =	vld [tilespmem:s10+$0x20];
	[tilespmem:s1+$0xB0] =	vst v0;
	v0 =	vmul.f32 $1.131370830e+01, v2  }
0xf3: {  	v2 =	vld [tilespmem:s10+$0x30];
	[tilespmem:s1+$0xC0] =	vst v1;
	v1 =	vmul.f32 $1.131370830e+01, v3  }
0xf4: {  	v3 =	vld [tilespmem:s10+$0x40];
	v4 =	vmul.f32 $1.131370830e+01, v4;
	[tilespmem:s1+$0xD0] =	vst v0  }
0xf5: {  	v0 =	vld [tilespmem:s10+$0x50];
	v7 =	vmul.f32 $1.131370830e+01, v7;
	[tilespmem:s1+$0xE0] =	vst v1  }
0xf6: {  	v1 =	vmul.f32 $1.131370830e+01, v5;
	v5 =	vld [tilespmem:s10+$0x60];
	[tilespmem:s1+$0x0] =	vst v4;
	s1 =	smov.u32 s10  }
0xf7: {  	v4 =	vmul.f32 $1.131370830e+01, v6;
	v6 =	vld [tilespmem:s10+$0x70];
	[tilespmem:s10+$0xF0] =	vst v7  }
0xf8: {  	[tilespmem:s10+$0x10] =	vst v1;
	v1 =	vmul.f32 $1.131370830e+01, v2;
	v2 =	vld [tilespmem:s10+$0x80]  }
0xf9: {  	[tilespmem:s10+$0x20] =	vst v4;
	v3 =	vmul.f32 $1.131370830e+01, v3;
	v4 =	vld [tilespmem:s10+$0x90]  }
0xfa: {  	[tilespmem:s10+$0x30] =	vst v1;
	v1 =	vmul.f32 $1.131370830e+01, v0;
	v7 =	vld [tilespmem:s10+$0xA0]  }
.Ltmp4:
0xfb: {  	[tilespmem:s10+$0x40] =	vst v3;
	v3 =	vmul.f32 $1.131370830e+01, v5;
	v0 =	vld [tilespmem:s10+$0xB0];
	(pc) =	sbr.rel @p0 .LBB2_11-.Ltmp4, $4  }
0xfc: {  	[tilespmem:s10+$0x50] =	vst v1;
	v5 =	vmul.f32 $1.131370830e+01, v6;
	v1 =	vld [tilespmem:s10+$0xC0]  }
0xfd: {  	[tilespmem:s10+$0x60] =	vst v3;
	v6 =	vmul.f32 $1.131370830e+01, v2;
	v2 =	vld [tilespmem:s10+$0xD0]  }
0xfe: {  	[tilespmem:s10+$0x70] =	vst v5;
	v5 =	vmul.f32 $1.131370830e+01, v4;
	v3 =	vld [tilespmem:s10+$0xE0]  }
0xff: {  	s10 =	sadd.s32 $0x100, s10;
	v4 =	vld [tilespmem:s1+$0x0];
	[tilespmem:s1+$0x80] =	vst v6;
	v6 =	vmul.f32 $1.131370830e+01, v7  }
0x100: {  	[tilespmem:s1+$0x90] =	vst v5;
	v0 =	vmul.f32 $1.131370830e+01, v0  }
0x101: {  	s31 =	sadd.s32 $0x1, s31;
	[tilespmem:s1+$0xA0] =	vst v6;
	v1 =	vmul.f32 $1.131370830e+01, v1  }
0x102: {  	p0 =	sne.s32 s31, $0x28;
	[tilespmem:s1+$0xB0] =	vst v0;
	v61 =	vmul.f32 $1.131370830e+01, v2  }
.Ltmp5:
0x103: {  	s0 =	sshll.u32 s0, $0xE;
	[tilespmem:s1+$0xC0] =	vst v1;
	v62 =	vmul.f32 $1.131370830e+01, v3;
	(pc) =	sbr.rel @p0 .LBB2_2-.Ltmp5, $4  }
0x104: {  	s0 =	sadd.s32 s9, s0;
	v63 =	vmul.f32 $1.131370830e+01, v4;
	[tilespmem:s1+$0xD0] =	vst v61  }
0x105: {  	s0 =	sshrl.u32 s0, $0x3;
	[tilespmem:s1+$0xE0] =	vst v62  }
0x106: {  	s0 =	sadd.s32 s3, s0;
	[tilespmem:s1+$0x0] =	vst v63  }
0x107: {  	[hbm4b:s0+s5] =	stream.linear.scatter [tilespmem:s19], [sflag:$0xA], $0x4000, $0x38;
	[tilespmem:$0x1A400] =	vst v63  }
0x108: {  	s0 =	simm.s32 $0x6  }
0x109: {  	_ =	swait.ge [sflag:s0], $0x4000  }
0x10a: {  	[sflag:s0] =	ssyncset.done $0x0  }
0x10b: {  	[sflag:s0] =	ssyncadd.s32 $0xFFFFC000  }
0x10c: {  	_ =	swait.ge [sflag:s25], $0x4000  }
0x10d: {  	[sflag:s25] =	ssyncset.done $0x0  }
0x10e: {  	[sflag:s25] =	ssyncadd.s32 $0xFFFFC000  }
0x10f: {  	_ =	swait.ge [sflag:s26], $0x4000  }
0x110: {  	[sflag:s26] =	ssyncset.done $0x0  }
0x111: {  	[sflag:s26] =	ssyncadd.s32 $0xFFFFC000  }
0x112: {  	_ =	swait.ge [sflag:s28], $0x4000  }
0x113: {  	[sflag:s28] =	ssyncset.done $0x0  }
0x114: {  	[sflag:s28] =	ssyncadd.s32 $0xFFFFC000  }
0x115: {  	_ =	swait.ge [sflag:s29], $0x4000  }
0x116: {  	s30 =	sadd.s32 $0x1, s30;
	s31 =	rddreg [dreg:$0x5]  }
0x117: {  	p0 =	sne.s32 s30, s31  }
.Ltmp6:
0x118: {  	_ = 	snop;
	(pc) =	sbr.rel @p0 .LBB2_1-.Ltmp6, $3  }
0x119: {  	_ =	sdelay $0x1  }
0x11a: {  	[sflag:s29] =	ssyncset.done $0x0  }
0x11b: {  	[sflag:s29] =	ssyncadd.s32 $0xFFFFC000  }
0x11c: {  	_ =	sfence.sel $0x180000  }
0x11d: {  	[bflag:$0x0] =	sbarrier.arrive $0xFFFF  }
0x11e: {  	_ =	strace $0x90000047  }
0x11f: {  	s0 =	stileid.u32;
	[bflag:$0x2] =	sbarrier.arrive $0xFFFF  }
0x120: {  	p0 =	sne.s32 s0, $0x0;
	s0 =	rddreg [dreg:$0x3]  }
0x121: {  	s0 =	sadd.s32 @!p0 $0x100000, s0  }
0x122: {  	[sflag:s0] =	ssyncadd.tile.s32 @!p0 $0x1;
	_ =	shalt  }
.Lfunc_end2:
_tile_overlayer_lowered:
.L_overlay_start_2:
0x123: {  	(tag) =	ssettag $0x2  }
0x124: {  	s0 =	rddreg [dreg:$0x0];
	s2 =	stileid.u32  }
0x125: {  	s1 =	rddreg [dreg:$0x1];
	p0 =	sne.s32 s2, $0x0  }
0x126: {  	s3 =	rddreg [dreg:$0x2];
	[bflag:$0x3] =	sbarrier.arrive $0xFFFF;
	s2 =	simm.s32 @!p0 $0x1C0B  }
0x127: {  	[timem:s3], [sflag:s2] =	dma.local @!p0 [hbm:s0], s1  }
0x128: {  	s0 =	simm.s32 @!p0 $0xB  }
0x129: {  	_ =	swait.ge @!p0 [sflag:s0], s1  }
0x12a: {  	s1 =	ssub.s32 @!p0 $0x0, s1;
	[sflag:s0] =	ssyncset.done @!p0 $0x0  }
0x12b: {  	[sflag:s0] =	ssyncadd.s32 @!p0 s1  }
0x12c: {  	[bflag:$0x3] =	sbarrier.arrive $0xFFFF  }
0x12d: {  	_ =	shalt  }

</sc_bundles>
